<compile_context>
chip_gen: v7x
topology: tpu7x:2x2x1
jax: 0.10.2.dev20260603
libtpu: 0.0.44.dev20260713+nightly
codegen_flags: <defaults>
</compile_context>

<pallas_src>
import jax
import jax.numpy as jnp
from jax import lax
from jax.experimental import pallas as pl
from jax.experimental.pallas import tpu as pltpu
from jax.experimental.pallas import tpu_sc as plsc

_B, _S, _D = 4, 4096, 2048
_E = 16
_T = _B * _S
_TB = 1024
_NC, _NS, _L = 1, 16, 16
_NW = _NC * _NS
_TPW = _T // _NW


def _gate_body(x_ref, w_ref, out_ref):
    out_ref[...] = lax.dot_general(
        w_ref[...], x_ref[...],
        dimension_numbers=(((1,), (1,)), ((), ())),
        preferred_element_type=jnp.float32,
        precision=lax.Precision.DEFAULT,
    )


def _gate_logits(x2d, w_gate):
    return pl.pallas_call(
        _gate_body,
        grid=(_T // _TB,),
        in_specs=[
            pl.BlockSpec((_TB, _D), lambda i: (i, 0)),
            pl.BlockSpec((_E, _D), lambda i: (0, 0)),
        ],
        out_specs=pl.BlockSpec((_E, _TB), lambda i: (0, i)),
        out_shape=jax.ShapeDtypeStruct((_E, _T), jnp.float32),
    )(x2d, w_gate)


def _route_body(logits_hbm, w_out, i_out, lt_v, w_v, i_v):
    wid = lax.axis_index("s") * _NC + lax.axis_index("c")
    base = wid * _TPW
    pltpu.sync_copy(logits_hbm.at[:, pl.ds(base, _TPW)], lt_v)

    neg_inf = jnp.full((_L,), -jnp.inf, jnp.float32)
    zeros_i = jnp.zeros((_L,), jnp.int32)

    def group(g, carry):
        off = g * _L
        m1, m2 = neg_inf, neg_inf
        i1, i2 = zeros_i, zeros_i
        for e in range(_E):
            x = lt_v[e, pl.ds(off, _L)]
            ev = jnp.full((_L,), e, jnp.int32)
            gt1 = x > m1
            gt2 = x > m2
            m2 = jnp.where(gt1, m1, jnp.where(gt2, x, m2))
            i2 = jnp.where(gt1, i1, jnp.where(gt2, ev, i2))
            m1 = jnp.where(gt1, x, m1)
            i1 = jnp.where(gt1, ev, i1)
        t = jnp.exp(m2 - m1)
        w1 = 1.0 / (1.0 + t)
        w2 = 1.0 - w1
        w_v[0, pl.ds(off, _L)] = w1
        w_v[1, pl.ds(off, _L)] = w2
        i_v[0, pl.ds(off, _L)] = i1
        i_v[1, pl.ds(off, _L)] = i2
        return carry

    lax.fori_loop(0, _TPW // _L, group, 0)

    pltpu.sync_copy(w_v, w_out.at[:, pl.ds(base, _TPW)])
    pltpu.sync_copy(i_v, i_out.at[:, pl.ds(base, _TPW)])


def _route(logits):
    routed = pl.kernel(
        _route_body,
        mesh=plsc.VectorSubcoreMesh(core_axis_name="c", subcore_axis_name="s", num_cores=1),
        out_type=[
            jax.ShapeDtypeStruct((2, _T), jnp.float32),
            jax.ShapeDtypeStruct((2, _T), jnp.int32),
        ],
        scratch_types=[
            pltpu.VMEM((_E, _TPW), jnp.float32),
            pltpu.VMEM((2, _TPW), jnp.float32),
            pltpu.VMEM((2, _TPW), jnp.int32),
        ],
    )
    return routed(logits)


@jax.jit
def kernel(hidden_states, W_gate):
    x2d = hidden_states.reshape(_T, _D)
    logits = _gate_logits(x2d, W_gate)
    w_pair, i_pair = _route(logits)
    return (w_pair.T.reshape(_B, _S, 2), i_pair.T.reshape(_B, _S, 2))

# --- scband reference (transcript-rebuilt; emitter-appended) ---
"""Pipeline reference for scband-municipal-expert-router-60301340836508 (READ-ONLY COPY).

The authoritative reference and input builder live on the scoring server;
editing this copy changes nothing except your own understanding.
"""

import jax, jax.numpy as jnp
import numpy as np

B, S, D = 4, 4096, 2048
E = 16
TOP_K = 2

def setup_inputs(seed: int = 0) -> dict:
    key = jax.random.key(seed)
    k1, k2 = jax.random.split(key)
    hidden_states = jax.random.normal(k1, (B, S, D), dtype=jnp.float32)
    # torch nn.Linear(hidden_size, num_experts, bias=False) weight: [num_experts, hidden_size]
    W_gate = jax.random.normal(k2, (E, D), dtype=jnp.float32) * (1.0 / np.sqrt(D))
    return {"hidden_states": hidden_states, "W_gate": W_gate}

def reference(hidden_states, W_gate):
    # router_logits = self.gate(hidden_states): [B, S, E]
    router_logits = jnp.einsum('bsd,ed->bse', hidden_states, W_gate)
    # topk over experts
    expert_weights, expert_indices = jax.lax.top_k(router_logits, TOP_K)
    # softmax over the selected top-k logits
    expert_weights = jax.nn.softmax(expert_weights, axis=-1)
    return (expert_weights, expert_indices)

if __name__ == "__main__":
    import jax
    _d = setup_inputs()
    print(jax.jit(kernel)(*tuple(_d.values())))

</pallas_src>

<mosaic_0001>
#map = affine_map<(d0, d1) -> (0, 0)>
module attributes {stable_mosaic.version = 14 : i64} {
  func.func @_route_body(%arg0: i32, %arg1: i32, %arg2: memref<16x16384xf32, #tpu.memory_space<hbm>>, %arg3: memref<2x16384xf32, #tpu.memory_space<hbm>>, %arg4: memref<2x16384xi32, #tpu.memory_space<hbm>>, %arg5: memref<16x1024xf32, #tpu.memory_space<vmem>>, %arg6: memref<2x1024xf32, #tpu.memory_space<vmem>>, %arg7: memref<2x1024xi32, #tpu.memory_space<vmem>>) attributes {dimension_semantics = [#tpu.dimension_semantics<core_parallel>, #tpu.dimension_semantics<subcore_parallel>], iteration_bounds = array<i64: 1, 16>, scalar_prefetch = 0 : i64, scratch_operands = 3 : i64, tpu.core_type = #tpu.core_type<sc_vector_subcore>, window_params = [{transform_indices = #map}, {transform_indices = #map}, {transform_indices = #map}]} {
    %mul3A = arith.constant 1 : i32
    %mul3A_0 = arith.muli %arg1, %mul3A : i32
    %add3A = arith.addi %mul3A_0, %arg0 : i32
    %mul3A_1 = arith.constant 1024 : i32
    %mul3A_2 = arith.muli %add3A, %mul3A_1 : i32
    "tpu.region"() ({
      %run_scoped3A = tpu.sem_alloc : memref<!tpu.dma_semaphore, #tpu.memory_space<semaphore_mem>>
      %dma_start3A = arith.constant 0 : i32
      %dma_start3A_11 = tpu.memref_slice %arg2[%dma_start3A, %mul3A_2] : memref<16x16384xf32, #tpu.memory_space<hbm>> -> memref<16x1024xf32, #tpu.memory_space<hbm>>
      %dma_start3A_12 = arith.constant 0 : i32
      %dma_start3A_13 = tpu.memref_slice %arg2[%dma_start3A_12, %mul3A_2] : memref<16x16384xf32, #tpu.memory_space<hbm>> -> memref<16x1024xf32, #tpu.memory_space<hbm>>
      tpu.enqueue_dma source(%dma_start3A_13 : memref<16x1024xf32, #tpu.memory_space<hbm>>) target(%arg5 : memref<16x1024xf32, #tpu.memory_space<vmem>>) target_semaphore(%run_scoped3A : memref<!tpu.dma_semaphore, #tpu.memory_space<semaphore_mem>>)
      %dma_wait3A = arith.constant 0 : i32
      %dma_wait3A_14 = tpu.memref_slice %arg2[%dma_wait3A, %mul3A_2] : memref<16x16384xf32, #tpu.memory_space<hbm>> -> memref<16x1024xf32, #tpu.memory_space<hbm>>
      %dma_wait3A_15 = arith.constant 0 : i32
      %dma_wait3A_16 = tpu.memref_slice %arg2[%dma_wait3A_15, %mul3A_2] : memref<16x16384xf32, #tpu.memory_space<hbm>> -> memref<16x1024xf32, #tpu.memory_space<hbm>>
      tpu.wait_dma2 semaphore(%run_scoped3A : memref<!tpu.dma_semaphore, #tpu.memory_space<semaphore_mem>>) src(%dma_wait3A_16 : memref<16x1024xf32, #tpu.memory_space<hbm>>) dst(%arg5 : memref<16x1024xf32, #tpu.memory_space<vmem>>)
      tpu.yield
    }) : () -> ()
    %broadcast_in_dim3A = arith.constant 0xFF800000 : f32
    %broadcast_in_dim3A_3 = vector.broadcast %broadcast_in_dim3A : f32 to vector<16xf32>
    %broadcast_in_dim3A_4 = arith.constant 0 : i32
    %broadcast_in_dim3A_5 = vector.broadcast %broadcast_in_dim3A_4 : i32 to vector<16xi32>
    %scan3A = arith.constant 0 : i32
    %scan3A_6 = arith.constant 0 : i32
    %scan3A_7 = arith.constant 64 : i32
    %scan3A_8 = arith.addi %scan3A_6, %scan3A_7 : i32
    %scan3A_9 = arith.constant 1 : i32
    scf.for %scan3A_11 = %scan3A_6 to %scan3A_8 step %scan3A_9  : i32 {
      %mul3A_12 = arith.constant 16 : i32
      %mul3A_13 = arith.muli %scan3A_11, %mul3A_12 : i32
      %get3A = arith.constant 0 : i32
      %get3A_14 = arith.index_cast %get3A : i32 to index
      %get3A_15 = arith.index_cast %mul3A_13 : i32 to index
      %get3A_16 = tpu.vector_load %arg5[%get3A_14, %get3A_15] {strides = array<i32>} : memref<16x1024xf32, #tpu.memory_space<vmem>>, vector<1x16xf32>,
      %get3A_17 = vector.shape_cast %get3A_16 : vector<1x16xf32> to vector<16xf32>
      %broadcast_in_dim3A_18 = arith.constant 0 : i32
      %broadcast_in_dim3A_19 = vector.broadcast %broadcast_in_dim3A_18 : i32 to vector<16xi32>
      %gt3A = arith.cmpf ogt, %get3A_17, %broadcast_in_dim3A_3 : vector<16xf32>
      %gt3A_20 = arith.cmpf ogt, %get3A_17, %broadcast_in_dim3A_3 : vector<16xf32>
      %select_n3A = arith.select %gt3A_20, %get3A_17, %broadcast_in_dim3A_3 : vector<16xi1>, vector<16xf32>
      %select_n3A_21 = arith.select %gt3A, %broadcast_in_dim3A_3, %select_n3A : vector<16xi1>, vector<16xf32>
      %select_n3A_22 = arith.select %gt3A_20, %broadcast_in_dim3A_19, %broadcast_in_dim3A_5 : vector<16xi1>, vector<16xi32>
      %select_n3A_23 = arith.select %gt3A, %broadcast_in_dim3A_5, %select_n3A_22 : vector<16xi1>, vector<16xi32>
      %select_n3A_24 = arith.select %gt3A, %get3A_17, %broadcast_in_dim3A_3 : vector<16xi1>, vector<16xf32>
      %select_n3A_25 = arith.select %gt3A, %broadcast_in_dim3A_19, %broadcast_in_dim3A_5 : vector<16xi1>, vector<16xi32>
      %get3A_26 = arith.constant 1 : i32
      %get3A_27 = arith.index_cast %get3A_26 : i32 to index
      %get3A_28 = arith.index_cast %mul3A_13 : i32 to index
      %get3A_29 = tpu.vector_load %arg5[%get3A_27, %get3A_28] {strides = array<i32>} : memref<16x1024xf32, #tpu.memory_space<vmem>>, vector<1x16xf32>,
      %get3A_30 = vector.shape_cast %get3A_29 : vector<1x16xf32> to vector<16xf32>
      %broadcast_in_dim3A_31 = arith.constant 1 : i32
      %broadcast_in_dim3A_32 = vector.broadcast %broadcast_in_dim3A_31 : i32 to vector<16xi32>
      %gt3A_33 = arith.cmpf ogt, %get3A_30, %select_n3A_24 : vector<16xf32>
      %gt3A_34 = arith.cmpf ogt, %get3A_30, %select_n3A_21 : vector<16xf32>
      %select_n3A_35 = arith.select %gt3A_34, %get3A_30, %select_n3A_21 : vector<16xi1>, vector<16xf32>
      %select_n3A_36 = arith.select %gt3A_33, %select_n3A_24, %select_n3A_35 : vector<16xi1>, vector<16xf32>
      %select_n3A_37 = arith.select %gt3A_34, %broadcast_in_dim3A_32, %select_n3A_23 : vector<16xi1>, vector<16xi32>
      %select_n3A_38 = arith.select %gt3A_33, %select_n3A_25, %select_n3A_37 : vector<16xi1>, vector<16xi32>
      %select_n3A_39 = arith.select %gt3A_33, %get3A_30, %select_n3A_24 : vector<16xi1>, vector<16xf32>
      %select_n3A_40 = arith.select %gt3A_33, %broadcast_in_dim3A_32, %select_n3A_25 : vector<16xi1>, vector<16xi32>
      %get3A_41 = arith.constant 2 : i32
      %get3A_42 = arith.index_cast %get3A_41 : i32 to index
      %get3A_43 = arith.index_cast %mul3A_13 : i32 to index
      %get3A_44 = tpu.vector_load %arg5[%get3A_42, %get3A_43] {strides = array<i32>} : memref<16x1024xf32, #tpu.memory_space<vmem>>, vector<1x16xf32>,
      %get3A_45 = vector.shape_cast %get3A_44 : vector<1x16xf32> to vector<16xf32>
      %broadcast_in_dim3A_46 = arith.constant 2 : i32
      %broadcast_in_dim3A_47 = vector.broadcast %broadcast_in_dim3A_46 : i32 to vector<16xi32>
      %gt3A_48 = arith.cmpf ogt, %get3A_45, %select_n3A_39 : vector<16xf32>
      %gt3A_49 = arith.cmpf ogt, %get3A_45, %select_n3A_36 : vector<16xf32>
      %select_n3A_50 = arith.select %gt3A_49, %get3A_45, %select_n3A_36 : vector<16xi1>, vector<16xf32>
      %select_n3A_51 = arith.select %gt3A_48, %select_n3A_39, %select_n3A_50 : vector<16xi1>, vector<16xf32>
      %select_n3A_52 = arith.select %gt3A_49, %broadcast_in_dim3A_47, %select_n3A_38 : vector<16xi1>, vector<16xi32>
      %select_n3A_53 = arith.select %gt3A_48, %select_n3A_40, %select_n3A_52 : vector<16xi1>, vector<16xi32>
      %select_n3A_54 = arith.select %gt3A_48, %get3A_45, %select_n3A_39 : vector<16xi1>, vector<16xf32>
      %select_n3A_55 = arith.select %gt3A_48, %broadcast_in_dim3A_47, %select_n3A_40 : vector<16xi1>, vector<16xi32>
      %get3A_56 = arith.constant 3 : i32
      %get3A_57 = arith.index_cast %get3A_56 : i32 to index
      %get3A_58 = arith.index_cast %mul3A_13 : i32 to index
      %get3A_59 = tpu.vector_load %arg5[%get3A_57, %get3A_58] {strides = array<i32>} : memref<16x1024xf32, #tpu.memory_space<vmem>>, vector<1x16xf32>,
      %get3A_60 = vector.shape_cast %get3A_59 : vector<1x16xf32> to vector<16xf32>
      %broadcast_in_dim3A_61 = arith.constant 3 : i32
      %broadcast_in_dim3A_62 = vector.broadcast %broadcast_in_dim3A_61 : i32 to vector<16xi32>
      %gt3A_63 = arith.cmpf ogt, %get3A_60, %select_n3A_54 : vector<16xf32>
      %gt3A_64 = arith.cmpf ogt, %get3A_60, %select_n3A_51 : vector<16xf32>
      %select_n3A_65 = arith.select %gt3A_64, %get3A_60, %select_n3A_51 : vector<16xi1>, vector<16xf32>
      %select_n3A_66 = arith.select %gt3A_63, %select_n3A_54, %select_n3A_65 : vector<16xi1>, vector<16xf32>
      %select_n3A_67 = arith.select %gt3A_64, %broadcast_in_dim3A_62, %select_n3A_53 : vector<16xi1>, vector<16xi32>
      %select_n3A_68 = arith.select %gt3A_63, %select_n3A_55, %select_n3A_67 : vector<16xi1>, vector<16xi32>
      %select_n3A_69 = arith.select %gt3A_63, %get3A_60, %select_n3A_54 : vector<16xi1>, vector<16xf32>
      %select_n3A_70 = arith.select %gt3A_63, %broadcast_in_dim3A_62, %select_n3A_55 : vector<16xi1>, vector<16xi32>
      %get3A_71 = arith.constant 4 : i32
      %get3A_72 = arith.index_cast %get3A_71 : i32 to index
      %get3A_73 = arith.index_cast %mul3A_13 : i32 to index
      %get3A_74 = tpu.vector_load %arg5[%get3A_72, %get3A_73] {strides = array<i32>} : memref<16x1024xf32, #tpu.memory_space<vmem>>, vector<1x16xf32>,
      %get3A_75 = vector.shape_cast %get3A_74 : vector<1x16xf32> to vector<16xf32>
      %broadcast_in_dim3A_76 = arith.constant 4 : i32
      %broadcast_in_dim3A_77 = vector.broadcast %broadcast_in_dim3A_76 : i32 to vector<16xi32>
      %gt3A_78 = arith.cmpf ogt, %get3A_75, %select_n3A_69 : vector<16xf32>
      %gt3A_79 = arith.cmpf ogt, %get3A_75, %select_n3A_66 : vector<16xf32>
      %select_n3A_80 = arith.select %gt3A_79, %get3A_75, %select_n3A_66 : vector<16xi1>, vector<16xf32>
      %select_n3A_81 = arith.select %gt3A_78, %select_n3A_69, %select_n3A_80 : vector<16xi1>, vector<16xf32>
      %select_n3A_82 = arith.select %gt3A_79, %broadcast_in_dim3A_77, %select_n3A_68 : vector<16xi1>, vector<16xi32>
      %select_n3A_83 = arith.select %gt3A_78, %select_n3A_70, %select_n3A_82 : vector<16xi1>, vector<16xi32>
      %select_n3A_84 = arith.select %gt3A_78, %get3A_75, %select_n3A_69 : vector<16xi1>, vector<16xf32>
      %select_n3A_85 = arith.select %gt3A_78, %broadcast_in_dim3A_77, %select_n3A_70 : vector<16xi1>, vector<16xi32>
      %get3A_86 = arith.constant 5 : i32
      %get3A_87 = arith.index_cast %get3A_86 : i32 to index
      %get3A_88 = arith.index_cast %mul3A_13 : i32 to index
      %get3A_89 = tpu.vector_load %arg5[%get3A_87, %get3A_88] {strides = array<i32>} : memref<16x1024xf32, #tpu.memory_space<vmem>>, vector<1x16xf32>,
      %get3A_90 = vector.shape_cast %get3A_89 : vector<1x16xf32> to vector<16xf32>
      %broadcast_in_dim3A_91 = arith.constant 5 : i32
      %broadcast_in_dim3A_92 = vector.broadcast %broadcast_in_dim3A_91 : i32 to vector<16xi32>
      %gt3A_93 = arith.cmpf ogt, %get3A_90, %select_n3A_84 : vector<16xf32>
      %gt3A_94 = arith.cmpf ogt, %get3A_90, %select_n3A_81 : vector<16xf32>
      %select_n3A_95 = arith.select %gt3A_94, %get3A_90, %select_n3A_81 : vector<16xi1>, vector<16xf32>
      %select_n3A_96 = arith.select %gt3A_93, %select_n3A_84, %select_n3A_95 : vector<16xi1>, vector<16xf32>
      %select_n3A_97 = arith.select %gt3A_94, %broadcast_in_dim3A_92, %select_n3A_83 : vector<16xi1>, vector<16xi32>
      %select_n3A_98 = arith.select %gt3A_93, %select_n3A_85, %select_n3A_97 : vector<16xi1>, vector<16xi32>
      %select_n3A_99 = arith.select %gt3A_93, %get3A_90, %select_n3A_84 : vector<16xi1>, vector<16xf32>
      %select_n3A_100 = arith.select %gt3A_93, %broadcast_in_dim3A_92, %select_n3A_85 : vector<16xi1>, vector<16xi32>
      %get3A_101 = arith.constant 6 : i32
      %get3A_102 = arith.index_cast %get3A_101 : i32 to index
      %get3A_103 = arith.index_cast %mul3A_13 : i32 to index
      %get3A_104 = tpu.vector_load %arg5[%get3A_102, %get3A_103] {strides = array<i32>} : memref<16x1024xf32, #tpu.memory_space<vmem>>, vector<1x16xf32>,
      %get3A_105 = vector.shape_cast %get3A_104 : vector<1x16xf32> to vector<16xf32>
      %broadcast_in_dim3A_106 = arith.constant 6 : i32
      %broadcast_in_dim3A_107 = vector.broadcast %broadcast_in_dim3A_106 : i32 to vector<16xi32>
      %gt3A_108 = arith.cmpf ogt, %get3A_105, %select_n3A_99 : vector<16xf32>
      %gt3A_109 = arith.cmpf ogt, %get3A_105, %select_n3A_96 : vector<16xf32>
      %select_n3A_110 = arith.select %gt3A_109, %get3A_105, %select_n3A_96 : vector<16xi1>, vector<16xf32>
      %select_n3A_111 = arith.select %gt3A_108, %select_n3A_99, %select_n3A_110 : vector<16xi1>, vector<16xf32>
      %select_n3A_112 = arith.select %gt3A_109, %broadcast_in_dim3A_107, %select_n3A_98 : vector<16xi1>, vector<16xi32>
      %select_n3A_113 = arith.select %gt3A_108, %select_n3A_100, %select_n3A_112 : vector<16xi1>, vector<16xi32>
      %select_n3A_114 = arith.select %gt3A_108, %get3A_105, %select_n3A_99 : vector<16xi1>, vector<16xf32>
      %select_n3A_115 = arith.select %gt3A_108, %broadcast_in_dim3A_107, %select_n3A_100 : vector<16xi1>, vector<16xi32>
      %get3A_116 = arith.constant 7 : i32
      %get3A_117 = arith.index_cast %get3A_116 : i32 to index
      %get3A_118 = arith.index_cast %mul3A_13 : i32 to index
      %get3A_119 = tpu.vector_load %arg5[%get3A_117, %get3A_118] {strides = array<i32>} : memref<16x1024xf32, #tpu.memory_space<vmem>>, vector<1x16xf32>,
      %get3A_120 = vector.shape_cast %get3A_119 : vector<1x16xf32> to vector<16xf32>
      %broadcast_in_dim3A_121 = arith.constant 7 : i32
      %broadcast_in_dim3A_122 = vector.broadcast %broadcast_in_dim3A_121 : i32 to vector<16xi32>
      %gt3A_123 = arith.cmpf ogt, %get3A_120, %select_n3A_114 : vector<16xf32>
      %gt3A_124 = arith.cmpf ogt, %get3A_120, %select_n3A_111 : vector<16xf32>
      %select_n3A_125 = arith.select %gt3A_124, %get3A_120, %select_n3A_111 : vector<16xi1>, vector<16xf32>
      %select_n3A_126 = arith.select %gt3A_123, %select_n3A_114, %select_n3A_125 : vector<16xi1>, vector<16xf32>
      %select_n3A_127 = arith.select %gt3A_124, %broadcast_in_dim3A_122, %select_n3A_113 : vector<16xi1>, vector<16xi32>
      %select_n3A_128 = arith.select %gt3A_123, %select_n3A_115, %select_n3A_127 : vector<16xi1>, vector<16xi32>
      %select_n3A_129 = arith.select %gt3A_123, %get3A_120, %select_n3A_114 : vector<16xi1>, vector<16xf32>
      %select_n3A_130 = arith.select %gt3A_123, %broadcast_in_dim3A_122, %select_n3A_115 : vector<16xi1>, vector<16xi32>
      %get3A_131 = arith.constant 8 : i32
      %get3A_132 = arith.index_cast %get3A_131 : i32 to index
      %get3A_133 = arith.index_cast %mul3A_13 : i32 to index
      %get3A_134 = tpu.vector_load %arg5[%get3A_132, %get3A_133] {strides = array<i32>} : memref<16x1024xf32, #tpu.memory_space<vmem>>, vector<1x16xf32>,
      %get3A_135 = vector.shape_cast %get3A_134 : vector<1x16xf32> to vector<16xf32>
      %broadcast_in_dim3A_136 = arith.constant 8 : i32
      %broadcast_in_dim3A_137 = vector.broadcast %broadcast_in_dim3A_136 : i32 to vector<16xi32>
      %gt3A_138 = arith.cmpf ogt, %get3A_135, %select_n3A_129 : vector<16xf32>
      %gt3A_139 = arith.cmpf ogt, %get3A_135, %select_n3A_126 : vector<16xf32>
      %select_n3A_140 = arith.select %gt3A_139, %get3A_135, %select_n3A_126 : vector<16xi1>, vector<16xf32>
      %select_n3A_141 = arith.select %gt3A_138, %select_n3A_129, %select_n3A_140 : vector<16xi1>, vector<16xf32>
      %select_n3A_142 = arith.select %gt3A_139, %broadcast_in_dim3A_137, %select_n3A_128 : vector<16xi1>, vector<16xi32>
      %select_n3A_143 = arith.select %gt3A_138, %select_n3A_130, %select_n3A_142 : vector<16xi1>, vector<16xi32>
      %select_n3A_144 = arith.select %gt3A_138, %get3A_135, %select_n3A_129 : vector<16xi1>, vector<16xf32>
      %select_n3A_145 = arith.select %gt3A_138, %broadcast_in_dim3A_137, %select_n3A_130 : vector<16xi1>, vector<16xi32>
      %get3A_146 = arith.constant 9 : i32
      %get3A_147 = arith.index_cast %get3A_146 : i32 to index
      %get3A_148 = arith.index_cast %mul3A_13 : i32 to index
      %get3A_149 = tpu.vector_load %arg5[%get3A_147, %get3A_148] {strides = array<i32>} : memref<16x1024xf32, #tpu.memory_space<vmem>>, vector<1x16xf32>,
      %get3A_150 = vector.shape_cast %get3A_149 : vector<1x16xf32> to vector<16xf32>
      %broadcast_in_dim3A_151 = arith.constant 9 : i32
      %broadcast_in_dim3A_152 = vector.broadcast %broadcast_in_dim3A_151 : i32 to vector<16xi32>
      %gt3A_153 = arith.cmpf ogt, %get3A_150, %select_n3A_144 : vector<16xf32>
      %gt3A_154 = arith.cmpf ogt, %get3A_150, %select_n3A_141 : vector<16xf32>
      %select_n3A_155 = arith.select %gt3A_154, %get3A_150, %select_n3A_141 : vector<16xi1>, vector<16xf32>
      %select_n3A_156 = arith.select %gt3A_153, %select_n3A_144, %select_n3A_155 : vector<16xi1>, vector<16xf32>
      %select_n3A_157 = arith.select %gt3A_154, %broadcast_in_dim3A_152, %select_n3A_143 : vector<16xi1>, vector<16xi32>
      %select_n3A_158 = arith.select %gt3A_153, %select_n3A_145, %select_n3A_157 : vector<16xi1>, vector<16xi32>
      %select_n3A_159 = arith.select %gt3A_153, %get3A_150, %select_n3A_144 : vector<16xi1>, vector<16xf32>
      %select_n3A_160 = arith.select %gt3A_153, %broadcast_in_dim3A_152, %select_n3A_145 : vector<16xi1>, vector<16xi32>
      %get3A_161 = arith.constant 10 : i32
      %get3A_162 = arith.index_cast %get3A_161 : i32 to index
      %get3A_163 = arith.index_cast %mul3A_13 : i32 to index
      %get3A_164 = tpu.vector_load %arg5[%get3A_162, %get3A_163] {strides = array<i32>} : memref<16x1024xf32, #tpu.memory_space<vmem>>, vector<1x16xf32>,
      %get3A_165 = vector.shape_cast %get3A_164 : vector<1x16xf32> to vector<16xf32>
      %broadcast_in_dim3A_166 = arith.constant 10 : i32
      %broadcast_in_dim3A_167 = vector.broadcast %broadcast_in_dim3A_166 : i32 to vector<16xi32>
      %gt3A_168 = arith.cmpf ogt, %get3A_165, %select_n3A_159 : vector<16xf32>
      %gt3A_169 = arith.cmpf ogt, %get3A_165, %select_n3A_156 : vector<16xf32>
      %select_n3A_170 = arith.select %gt3A_169, %get3A_165, %select_n3A_156 : vector<16xi1>, vector<16xf32>
      %select_n3A_171 = arith.select %gt3A_168, %select_n3A_159, %select_n3A_170 : vector<16xi1>, vector<16xf32>
      %select_n3A_172 = arith.select %gt3A_169, %broadcast_in_dim3A_167, %select_n3A_158 : vector<16xi1>, vector<16xi32>
      %select_n3A_173 = arith.select %gt3A_168, %select_n3A_160, %select_n3A_172 : vector<16xi1>, vector<16xi32>
      %select_n3A_174 = arith.select %gt3A_168, %get3A_165, %select_n3A_159 : vector<16xi1>, vector<16xf32>
      %select_n3A_175 = arith.select %gt3A_168, %broadcast_in_dim3A_167, %select_n3A_160 : vector<16xi1>, vector<16xi32>
      %get3A_176 = arith.constant 11 : i32
      %get3A_177 = arith.index_cast %get3A_176 : i32 to index
      %get3A_178 = arith.index_cast %mul3A_13 : i32 to index
      %get3A_179 = tpu.vector_load %arg5[%get3A_177, %get3A_178] {strides = array<i32>} : memref<16x1024xf32, #tpu.memory_space<vmem>>, vector<1x16xf32>,
      %get3A_180 = vector.shape_cast %get3A_179 : vector<1x16xf32> to vector<16xf32>
      %broadcast_in_dim3A_181 = arith.constant 11 : i32
      %broadcast_in_dim3A_182 = vector.broadcast %broadcast_in_dim3A_181 : i32 to vector<16xi32>
      %gt3A_183 = arith.cmpf ogt, %get3A_180, %select_n3A_174 : vector<16xf32>
      %gt3A_184 = arith.cmpf ogt, %get3A_180, %select_n3A_171 : vector<16xf32>
      %select_n3A_185 = arith.select %gt3A_184, %get3A_180, %select_n3A_171 : vector<16xi1>, vector<16xf32>
      %select_n3A_186 = arith.select %gt3A_183, %select_n3A_174, %select_n3A_185 : vector<16xi1>, vector<16xf32>
      %select_n3A_187 = arith.select %gt3A_184, %broadcast_in_dim3A_182, %select_n3A_173 : vector<16xi1>, vector<16xi32>
      %select_n3A_188 = arith.select %gt3A_183, %select_n3A_175, %select_n3A_187 : vector<16xi1>, vector<16xi32>
      %select_n3A_189 = arith.select %gt3A_183, %get3A_180, %select_n3A_174 : vector<16xi1>, vector<16xf32>
      %select_n3A_190 = arith.select %gt3A_183, %broadcast_in_dim3A_182, %select_n3A_175 : vector<16xi1>, vector<16xi32>
      %get3A_191 = arith.constant 12 : i32
      %get3A_192 = arith.index_cast %get3A_191 : i32 to index
      %get3A_193 = arith.index_cast %mul3A_13 : i32 to index
      %get3A_194 = tpu.vector_load %arg5[%get3A_192, %get3A_193] {strides = array<i32>} : memref<16x1024xf32, #tpu.memory_space<vmem>>, vector<1x16xf32>,
      %get3A_195 = vector.shape_cast %get3A_194 : vector<1x16xf32> to vector<16xf32>
      %broadcast_in_dim3A_196 = arith.constant 12 : i32
      %broadcast_in_dim3A_197 = vector.broadcast %broadcast_in_dim3A_196 : i32 to vector<16xi32>
      %gt3A_198 = arith.cmpf ogt, %get3A_195, %select_n3A_189 : vector<16xf32>
      %gt3A_199 = arith.cmpf ogt, %get3A_195, %select_n3A_186 : vector<16xf32>
      %select_n3A_200 = arith.select %gt3A_199, %get3A_195, %select_n3A_186 : vector<16xi1>, vector<16xf32>
      %select_n3A_201 = arith.select %gt3A_198, %select_n3A_189, %select_n3A_200 : vector<16xi1>, vector<16xf32>
      %select_n3A_202 = arith.select %gt3A_199, %broadcast_in_dim3A_197, %select_n3A_188 : vector<16xi1>, vector<16xi32>
      %select_n3A_203 = arith.select %gt3A_198, %select_n3A_190, %select_n3A_202 : vector<16xi1>, vector<16xi32>
      %select_n3A_204 = arith.select %gt3A_198, %get3A_195, %select_n3A_189 : vector<16xi1>, vector<16xf32>
      %select_n3A_205 = arith.select %gt3A_198, %broadcast_in_dim3A_197, %select_n3A_190 : vector<16xi1>, vector<16xi32>
      %get3A_206 = arith.constant 13 : i32
      %get3A_207 = arith.index_cast %get3A_206 : i32 to index
      %get3A_208 = arith.index_cast %mul3A_13 : i32 to index
      %get3A_209 = tpu.vector_load %arg5[%get3A_207, %get3A_208] {strides = array<i32>} : memref<16x1024xf32, #tpu.memory_space<vmem>>, vector<1x16xf32>,
      %get3A_210 = vector.shape_cast %get3A_209 : vector<1x16xf32> to vector<16xf32>
      %broadcast_in_dim3A_211 = arith.constant 13 : i32
      %broadcast_in_dim3A_212 = vector.broadcast %broadcast_in_dim3A_211 : i32 to vector<16xi32>
      %gt3A_213 = arith.cmpf ogt, %get3A_210, %select_n3A_204 : vector<16xf32>
      %gt3A_214 = arith.cmpf ogt, %get3A_210, %select_n3A_201 : vector<16xf32>
      %select_n3A_215 = arith.select %gt3A_214, %get3A_210, %select_n3A_201 : vector<16xi1>, vector<16xf32>
      %select_n3A_216 = arith.select %gt3A_213, %select_n3A_204, %select_n3A_215 : vector<16xi1>, vector<16xf32>
      %select_n3A_217 = arith.select %gt3A_214, %broadcast_in_dim3A_212, %select_n3A_203 : vector<16xi1>, vector<16xi32>
      %select_n3A_218 = arith.select %gt3A_213, %select_n3A_205, %select_n3A_217 : vector<16xi1>, vector<16xi32>
      %select_n3A_219 = arith.select %gt3A_213, %get3A_210, %select_n3A_204 : vector<16xi1>, vector<16xf32>
      %select_n3A_220 = arith.select %gt3A_213, %broadcast_in_dim3A_212, %select_n3A_205 : vector<16xi1>, vector<16xi32>
      %get3A_221 = arith.constant 14 : i32
      %get3A_222 = arith.index_cast %get3A_221 : i32 to index
      %get3A_223 = arith.index_cast %mul3A_13 : i32 to index
      %get3A_224 = tpu.vector_load %arg5[%get3A_222, %get3A_223] {strides = array<i32>} : memref<16x1024xf32, #tpu.memory_space<vmem>>, vector<1x16xf32>,
      %get3A_225 = vector.shape_cast %get3A_224 : vector<1x16xf32> to vector<16xf32>
      %broadcast_in_dim3A_226 = arith.constant 14 : i32
      %broadcast_in_dim3A_227 = vector.broadcast %broadcast_in_dim3A_226 : i32 to vector<16xi32>
      %gt3A_228 = arith.cmpf ogt, %get3A_225, %select_n3A_219 : vector<16xf32>
      %gt3A_229 = arith.cmpf ogt, %get3A_225, %select_n3A_216 : vector<16xf32>
      %select_n3A_230 = arith.select %gt3A_229, %get3A_225, %select_n3A_216 : vector<16xi1>, vector<16xf32>
      %select_n3A_231 = arith.select %gt3A_228, %select_n3A_219, %select_n3A_230 : vector<16xi1>, vector<16xf32>
      %select_n3A_232 = arith.select %gt3A_229, %broadcast_in_dim3A_227, %select_n3A_218 : vector<16xi1>, vector<16xi32>
      %select_n3A_233 = arith.select %gt3A_228, %select_n3A_220, %select_n3A_232 : vector<16xi1>, vector<16xi32>
      %select_n3A_234 = arith.select %gt3A_228, %get3A_225, %select_n3A_219 : vector<16xi1>, vector<16xf32>
      %select_n3A_235 = arith.select %gt3A_228, %broadcast_in_dim3A_227, %select_n3A_220 : vector<16xi1>, vector<16xi32>
      %get3A_236 = arith.constant 15 : i32
      %get3A_237 = arith.index_cast %get3A_236 : i32 to index
      %get3A_238 = arith.index_cast %mul3A_13 : i32 to index
      %get3A_239 = tpu.vector_load %arg5[%get3A_237, %get3A_238] {strides = array<i32>} : memref<16x1024xf32, #tpu.memory_space<vmem>>, vector<1x16xf32>,
      %get3A_240 = vector.shape_cast %get3A_239 : vector<1x16xf32> to vector<16xf32>
      %broadcast_in_dim3A_241 = arith.constant 15 : i32
      %broadcast_in_dim3A_242 = vector.broadcast %broadcast_in_dim3A_241 : i32 to vector<16xi32>
      %gt3A_243 = arith.cmpf ogt, %get3A_240, %select_n3A_234 : vector<16xf32>
      %gt3A_244 = arith.cmpf ogt, %get3A_240, %select_n3A_231 : vector<16xf32>
      %select_n3A_245 = arith.select %gt3A_244, %get3A_240, %select_n3A_231 : vector<16xi1>, vector<16xf32>
      %select_n3A_246 = arith.select %gt3A_243, %select_n3A_234, %select_n3A_245 : vector<16xi1>, vector<16xf32>
      %select_n3A_247 = arith.select %gt3A_244, %broadcast_in_dim3A_242, %select_n3A_233 : vector<16xi1>, vector<16xi32>
      %select_n3A_248 = arith.select %gt3A_243, %select_n3A_235, %select_n3A_247 : vector<16xi1>, vector<16xi32>
      %select_n3A_249 = arith.select %gt3A_243, %get3A_240, %select_n3A_234 : vector<16xi1>, vector<16xf32>
      %select_n3A_250 = arith.select %gt3A_243, %broadcast_in_dim3A_242, %select_n3A_235 : vector<16xi1>, vector<16xi32>
      %sub3A = arith.subf %select_n3A_246, %select_n3A_249 : vector<16xf32>
      %exp3A = math.exp %sub3A : vector<16xf32>
      %add3A_251 = arith.constant 1.000000e+00 : f32
      %add3A_252 = vector.broadcast %add3A_251 : f32 to vector<16xf32>
      %add3A_253 = arith.addf %add3A_252, %exp3A : vector<16xf32>
      %div3A = arith.constant 1.000000e+00 : f32
      %div3A_254 = vector.broadcast %div3A : f32 to vector<16xf32>
      %div3A_255 = arith.divf %div3A_254, %add3A_253 : vector<16xf32>
      %sub3A_256 = arith.constant 1.000000e+00 : f32
      %sub3A_257 = vector.broadcast %sub3A_256 : f32 to vector<16xf32>
      %sub3A_258 = arith.subf %sub3A_257, %div3A_255 : vector<16xf32>
      %swap3A = arith.constant 0 : i32
      %swap3A_259 = arith.index_cast %swap3A : i32 to index
      %swap3A_260 = arith.index_cast %mul3A_13 : i32 to index
      %swap3A_261 = tpu.vector_load %arg6[%swap3A_259, %swap3A_260] {strides = array<i32>} : memref<2x1024xf32, #tpu.memory_space<vmem>>, vector<1x16xf32>,
      %swap3A_262 = vector.shape_cast %swap3A_261 : vector<1x16xf32> to vector<16xf32>
      %swap3A_263 = vector.shape_cast %div3A_255 : vector<16xf32> to vector<1x16xf32>
      tpu.vector_store %arg6[%swap3A_259, %swap3A_260], %swap3A_263 {strides = array<i32>} : memref<2x1024xf32, #tpu.memory_space<vmem>>, vector<1x16xf32>,
      %swap3A_264 = arith.constant 1 : i32
      %swap3A_265 = arith.index_cast %swap3A_264 : i32 to index
      %swap3A_266 = arith.index_cast %mul3A_13 : i32 to index
      %swap3A_267 = tpu.vector_load %arg6[%swap3A_265, %swap3A_266] {strides = array<i32>} : memref<2x1024xf32, #tpu.memory_space<vmem>>, vector<1x16xf32>,
      %swap3A_268 = vector.shape_cast %swap3A_267 : vector<1x16xf32> to vector<16xf32>
      %swap3A_269 = vector.shape_cast %sub3A_258 : vector<16xf32> to vector<1x16xf32>
      tpu.vector_store %arg6[%swap3A_265, %swap3A_266], %swap3A_269 {strides = array<i32>} : memref<2x1024xf32, #tpu.memory_space<vmem>>, vector<1x16xf32>,
      %swap3A_270 = arith.constant 0 : i32
      %swap3A_271 = arith.index_cast %swap3A_270 : i32 to index
      %swap3A_272 = arith.index_cast %mul3A_13 : i32 to index
      %swap3A_273 = tpu.vector_load %arg7[%swap3A_271, %swap3A_272] {strides = array<i32>} : memref<2x1024xi32, #tpu.memory_space<vmem>>, vector<1x16xi32>,
      %swap3A_274 = vector.shape_cast %swap3A_273 : vector<1x16xi32> to vector<16xi32>
      %swap3A_275 = vector.shape_cast %select_n3A_250 : vector<16xi32> to vector<1x16xi32>
      tpu.vector_store %arg7[%swap3A_271, %swap3A_272], %swap3A_275 {strides = array<i32>} : memref<2x1024xi32, #tpu.memory_space<vmem>>, vector<1x16xi32>,
      %swap3A_276 = arith.constant 1 : i32
      %swap3A_277 = arith.index_cast %swap3A_276 : i32 to index
      %swap3A_278 = arith.index_cast %mul3A_13 : i32 to index
      %swap3A_279 = tpu.vector_load %arg7[%swap3A_277, %swap3A_278] {strides = array<i32>} : memref<2x1024xi32, #tpu.memory_space<vmem>>, vector<1x16xi32>,
      %swap3A_280 = vector.shape_cast %swap3A_279 : vector<1x16xi32> to vector<16xi32>
      %swap3A_281 = vector.shape_cast %select_n3A_248 : vector<16xi32> to vector<1x16xi32>
      tpu.vector_store %arg7[%swap3A_277, %swap3A_278], %swap3A_281 {strides = array<i32>} : memref<2x1024xi32, #tpu.memory_space<vmem>>, vector<1x16xi32>,
    }
    %scan3A_10 = arith.constant 64 : i32
    "tpu.region"() ({
      %run_scoped3A = tpu.sem_alloc : memref<!tpu.dma_semaphore, #tpu.memory_space<semaphore_mem>>
      %dma_start3A = arith.constant 0 : i32
      %dma_start3A_11 = tpu.memref_slice %arg3[%dma_start3A, %mul3A_2] : memref<2x16384xf32, #tpu.memory_space<hbm>> -> memref<2x1024xf32, #tpu.memory_space<hbm>>
      %dma_start3A_12 = arith.constant 0 : i32
      %dma_start3A_13 = tpu.memref_slice %arg3[%dma_start3A_12, %mul3A_2] : memref<2x16384xf32, #tpu.memory_space<hbm>> -> memref<2x1024xf32, #tpu.memory_space<hbm>>
      tpu.enqueue_dma source(%arg6 : memref<2x1024xf32, #tpu.memory_space<vmem>>) target(%dma_start3A_13 : memref<2x1024xf32, #tpu.memory_space<hbm>>) target_semaphore(%run_scoped3A : memref<!tpu.dma_semaphore, #tpu.memory_space<semaphore_mem>>)
      %dma_wait3A = arith.constant 0 : i32
      %dma_wait3A_14 = tpu.memref_slice %arg3[%dma_wait3A, %mul3A_2] : memref<2x16384xf32, #tpu.memory_space<hbm>> -> memref<2x1024xf32, #tpu.memory_space<hbm>>
      %dma_wait3A_15 = arith.constant 0 : i32
      %dma_wait3A_16 = tpu.memref_slice %arg3[%dma_wait3A_15, %mul3A_2] : memref<2x16384xf32, #tpu.memory_space<hbm>> -> memref<2x1024xf32, #tpu.memory_space<hbm>>
      tpu.wait_dma2 semaphore(%run_scoped3A : memref<!tpu.dma_semaphore, #tpu.memory_space<semaphore_mem>>) src(%arg6 : memref<2x1024xf32, #tpu.memory_space<vmem>>) dst(%dma_wait3A_16 : memref<2x1024xf32, #tpu.memory_space<hbm>>)
      tpu.yield
    }) : () -> ()
    "tpu.region"() ({
      %run_scoped3A = tpu.sem_alloc : memref<!tpu.dma_semaphore, #tpu.memory_space<semaphore_mem>>
      %dma_start3A = arith.constant 0 : i32
      %dma_start3A_11 = tpu.memref_slice %arg4[%dma_start3A, %mul3A_2] : memref<2x16384xi32, #tpu.memory_space<hbm>> -> memref<2x1024xi32, #tpu.memory_space<hbm>>
      %dma_start3A_12 = arith.constant 0 : i32
      %dma_start3A_13 = tpu.memref_slice %arg4[%dma_start3A_12, %mul3A_2] : memref<2x16384xi32, #tpu.memory_space<hbm>> -> memref<2x1024xi32, #tpu.memory_space<hbm>>
      tpu.enqueue_dma source(%arg7 : memref<2x1024xi32, #tpu.memory_space<vmem>>) target(%dma_start3A_13 : memref<2x1024xi32, #tpu.memory_space<hbm>>) target_semaphore(%run_scoped3A : memref<!tpu.dma_semaphore, #tpu.memory_space<semaphore_mem>>)
      %dma_wait3A = arith.constant 0 : i32
      %dma_wait3A_14 = tpu.memref_slice %arg4[%dma_wait3A, %mul3A_2] : memref<2x16384xi32, #tpu.memory_space<hbm>> -> memref<2x1024xi32, #tpu.memory_space<hbm>>
      %dma_wait3A_15 = arith.constant 0 : i32
      %dma_wait3A_16 = tpu.memref_slice %arg4[%dma_wait3A_15, %mul3A_2] : memref<2x16384xi32, #tpu.memory_space<hbm>> -> memref<2x1024xi32, #tpu.memory_space<hbm>>
      tpu.wait_dma2 semaphore(%run_scoped3A : memref<!tpu.dma_semaphore, #tpu.memory_space<semaphore_mem>>) src(%arg7 : memref<2x1024xi32, #tpu.memory_space<vmem>>) dst(%dma_wait3A_16 : memref<2x1024xi32, #tpu.memory_space<hbm>>)
      tpu.yield
    }) : () -> ()
    return
  }
}

module attributes {stable_mosaic.version = 14 : i64} {
  func.func @_gate_body(%arg0: i32, %arg1: memref<1024x2048xf32, #tpu.memory_space<vmem>>, %arg2: memref<16x2048xf32, #tpu.memory_space<vmem>>, %arg3: memref<16x1024xf32, #tpu.memory_space<vmem>>) attributes {dimension_semantics = [#tpu.dimension_semantics<arbitrary>], iteration_bounds = array<i64: 16>, scalar_prefetch = 0 : i64, scratch_operands = 0 : i64, tpu.core_type = #tpu.core_type<tc>, window_params = [{transform_indices = @transform_0, window_bounds = array<i64: 1024, 2048>}, {pipeline_mode = #tpu.pipeline_mode<synchronous>, transform_indices = @transform_1, window_bounds = array<i64: 16, 2048>}, {transform_indices = @transform_2, window_bounds = array<i64: 16, 1024>}]} {
    %get3A = arith.constant 0 : index
    %get3A_0 = arith.constant 0 : index
    %get3A_1 = vector.load %arg2[%get3A, %get3A_0] : memref<16x2048xf32, #tpu.memory_space<vmem>>, vector<16x2048xf32>
    %get3A_2 = arith.constant 0 : index
    %get3A_3 = arith.constant 0 : index
    %get3A_4 = vector.load %arg1[%get3A_2, %get3A_3] : memref<1024x2048xf32, #tpu.memory_space<vmem>>, vector<1024x2048xf32>
    %dot_general3A = arith.constant dense<0.000000e+00> : vector<16x1024xf32>
    %dot_general3A_5 = tpu.matmul %get3A_1, %get3A_4, %dot_general3A {dimension_numbers = #tpu.dot_dimension_numbers<[1], [1], [0], [0], [0, 0, 1, 0], [], []>, transpose_lhs_hint = false} : vector<16x2048xf32>, vector<1024x2048xf32>, vector<16x1024xf32> -> vector<16x1024xf32>
    %swap3A = arith.constant 0 : index
    %swap3A_6 = arith.constant 0 : index
    %swap3A_7 = vector.load %arg3[%swap3A, %swap3A_6] : memref<16x1024xf32, #tpu.memory_space<vmem>>, vector<16x1024xf32>
    tpu.vector_store %arg3[%swap3A, %swap3A_6], %dot_general3A_5 {strides = array<i32>} : memref<16x1024xf32, #tpu.memory_space<vmem>>, vector<16x1024xf32>,
    return
  }
  func.func @transform_0(%arg0: i32) -> (i32, i32) {
    %c0_i32 = arith.constant 0 : i32
    %c0_i32_0 = arith.constant 0 : i32
    return %arg0, %c0_i32 : i32, i32
  }
  func.func @transform_1(%arg0: i32) -> (i32, i32) {
    %c0_i32 = arith.constant 0 : i32
    %c0_i32_0 = arith.constant 0 : i32
    %c0_i32_1 = arith.constant 0 : i32
    return %c0_i32, %c0_i32_0 : i32, i32
  }
  func.func @transform_2(%arg0: i32) -> (i32, i32) {
    %c0_i32 = arith.constant 0 : i32
    %c0_i32_0 = arith.constant 0 : i32
    return %c0_i32, %arg0 : i32, i32
  }
}

</mosaic_0001>

<sc_bundles>
// kernel: kernel.4.cloned.1.call-start
scs
__scs_entry_jumppad:
0x0: {  	(pc) =	sbr.rel $0x88, $3  }
0x1: {  	(tag) =	ssettag $0x0;
	lr =	simm.s32 $0x1  }
0x2: {  	[smem:$0x3F9F] =	sst lr;
	_ =	strace $0xD0000000  }
0x3: {  	_ = 	snop  }
0x4: {  	_ = 	snop  }
0x5: {  	_ = 	snop  }
0x6: {  	_ = 	snop  }
0x7: {  	_ = 	snop  }
__scs_overlays_trampoline_lowered:
0x8: {  	[smem:$0x3FAE] =	sst s0  }
0x9: {  	[smem:$0x3FAF] =	sst s1  }
0xa: {  	[smem:$0x3FB0] =	sst s2  }
0xb: {  	[smem:$0x3FB1] =	sst s3  }
0xc: {  	[smem:$0x3FB2] =	sst s4  }
0xd: {  	[smem:$0x3FB3] =	sst s5  }
0xe: {  	[smem:$0x3FB4] =	sst s6  }
0xf: {  	[smem:$0x3FB5] =	sst s7  }
0x10: {  	[smem:$0x3FB6] =	sst s8  }
0x11: {  	[smem:$0x3FB7] =	sst s9;
	s0 =	simm.s32 @!p0 $0x0  }
0x12: {  	s1 =	sld [smem:$0x3F9D];
	s0 =	simm.s32 @p0 $0x1  }
0x13: {  	[smem:$0x3FB8] =	sst s0;
	s0 =	simm.s32 @!p1 $0x0  }
0x14: {  	s2 =	sld [smem:$0x3F9C];
	s0 =	simm.s32 @p1 $0x1  }
0x15: {  	[smem:$0x3FB9] =	sst s0;
	s0 =	simm.s32 @!p2 $0x0  }
0x16: {  	s3 =	sld [smem:$0x3FDB];
	s0 =	simm.s32 @p2 $0x1  }
0x17: {  	s4 =	simm.s32 $0x1BF5;
	[smem:$0x3FBB] =	sst s0  }
0x18: {  	s0 =	sld [smem:$0x3F9E];
	_ =	swait.ge [sflag:s4], $0x0  }
0x19: {  	s7 =	sld [smem:$0x3F9F]  }
0x1a: {  	s8 =	sadd.s32 $0xFFFFE003, lr  }
0x1b: {  	s9 =	sadd.s32 $0xFFFFFEF7, lr;
	s5 =	simm.s32 $0xFFFFFFFF;
	p2 =	slt.u32 s8, $0xFFFFF086  }
0x1c: {  	p1 =	slt.u32 s9, $0xF7A;
	s5 =	simm.s32 @!p2 $0x0  }
0x1d: {  	s5 =	simm.s32 @p1 $0x1;
	p0 =	seq.s32 s7, s2  }
0x1e: {  	s7 =	smul.u32 @!p0 $0xF7A, s2;
	p2 =	seq.s32 @!p0 s5, $0x0  }
0x1f: {  	s9 =	smul.u32 $0xF7A, s1;
	s8 =	simm.s32 @!p0 $0x1BF5;
	p2 =	por !p2, p0  }
0x20: {  	[sflag:s8] =	ssyncset.s32 @!p0 $0xFFFFF086;
	s6 =	sadd.s32 @!p0 s3, s7;
	s7 =	simm.s32 @!p0 $0x108  }
0x21: {  	s3 =	sadd.s32 s3, s9;
	s6 =	sadd.s32 @!p0 $0x88, s6;
	s7 =	simm.s32 @p2 $0x1082  }
0x22: {  	[simem:s7], [sflag:s8] =	dma.local @!p0 [hbm:s6], $0xF7A  }
0x23: {  	s9 =	sor.u32 $0xD0000000, s2;
	s6 =	simm.s32 $0x108;
	_ =	swait.ge @!p0 [sflag:s8], $0x0  }
0x24: {  	s3 =	sadd.s32 $0x88, s3;
	s6 =	simm.s32 @!p1 $0x1082;
	[sflag:s4] =	ssyncset.s32 $0xFFFFF086  }
0x25: {  	[simem:s6], [sflag:s4] =	dma.local [hbm:s3], $0xF7A  }
0x26: {  	[smem:$0x3F9F] =	sst s1;
	(tag) =	ssettag s2;
	_ =	strace s9  }
0x27: {  	s1 =	sld [smem:$0x3FAF]  }
0x28: {  	s2 =	sld [smem:$0x3FB0]  }
0x29: {  	s4 =	sld [smem:$0x3FB2]  }
0x2a: {  	p0 =	seq.s32 s5, $0x0;
	s5 =	sld [smem:$0x3FB3]  }
0x2b: {  	s6 =	sld [smem:$0x3FB4]  }
0x2c: {  	s7 =	sld [smem:$0x3FB5]  }
0x2d: {  	s3 =	simm.s32 $0x108;
	s8 =	sld [smem:$0x3FB6]  }
0x2e: {  	s3 =	simm.s32 @!p0 $0x1082;
	s9 =	sld [smem:$0x3FB7]  }
0x2f: {  	lr =	sadd.s32 s0, s3;
	s0 =	sld [smem:$0x3FAE]  }
0x30: {  	s3 =	sld [smem:$0x3FB1]  }
0x31: {  	[smem:$0x3FBA] =	sst s10  }
0x32: {  	s10 =	sld [smem:$0x3FB8];
	_ =	sdelay $0x3  }
0x33: {  	p0 =	seq.s32 s10, $0x1;
	s10 =	sld [smem:$0x3FBA];
	_ =	sdelay $0x3  }
0x34: {  	[smem:$0x3FBA] =	sst s10  }
0x35: {  	s10 =	sld [smem:$0x3FB9];
	_ =	sdelay $0x3  }
0x36: {  	p1 =	seq.s32 s10, $0x1;
	s10 =	sld [smem:$0x3FBA];
	_ =	sdelay $0x3  }
0x37: {  	[smem:$0x3FBA] =	sst s10  }
0x38: {  	s10 =	sld [smem:$0x3FBB]  }
0x39: {  	_ = 	snop;
	(pc) =	sbr.ind lr, $3  }
0x3a: {  	_ = 	snop  }
0x3b: {  	_ = 	snop  }
0x3c: {  	p2 =	seq.s32 s10, $0x1;
	s10 =	sld [smem:$0x3FBA]  }
0x3d: {  	_ =	shalt  }
0x3e: {  	_ =	shalt  }
0x3f: {  	_ =	shalt  }
0x40: {  	_ =	shalt  }
0x41: {  	_ =	shalt  }
0x42: {  	_ =	shalt  }
0x43: {  	_ =	shalt  }
0x44: {  	_ =	shalt  }
0x45: {  	_ =	shalt  }
0x46: {  	_ =	shalt  }
0x47: {  	_ =	shalt  }
0x48: {  	_ =	shalt  }
0x49: {  	_ =	shalt  }
0x4a: {  	_ =	shalt  }
0x4b: {  	_ =	shalt  }
0x4c: {  	_ =	shalt  }
0x4d: {  	_ =	shalt  }
0x4e: {  	_ =	shalt  }
0x4f: {  	_ =	shalt  }
0x50: {  	_ =	shalt  }
0x51: {  	_ =	shalt  }
0x52: {  	_ =	shalt  }
0x53: {  	_ =	shalt  }
0x54: {  	_ =	shalt  }
0x55: {  	_ =	shalt  }
0x56: {  	_ =	shalt  }
0x57: {  	_ =	shalt  }
0x58: {  	_ =	shalt  }
0x59: {  	_ =	shalt  }
0x5a: {  	_ =	shalt  }
0x5b: {  	_ =	shalt  }
0x5c: {  	_ =	shalt  }
0x5d: {  	_ =	shalt  }
0x5e: {  	_ =	shalt  }
0x5f: {  	_ =	shalt  }
0x60: {  	_ =	shalt  }
0x61: {  	_ =	shalt  }
0x62: {  	_ =	shalt  }
0x63: {  	_ =	shalt  }
0x64: {  	_ =	shalt  }
0x65: {  	_ =	shalt  }
0x66: {  	_ =	shalt  }
0x67: {  	_ =	shalt  }
0x68: {  	_ =	shalt  }
0x69: {  	_ =	shalt  }
0x6a: {  	_ =	shalt  }
0x6b: {  	_ =	shalt  }
0x6c: {  	_ =	shalt  }
0x6d: {  	_ =	shalt  }
0x6e: {  	_ =	shalt  }
0x6f: {  	_ =	shalt  }
0x70: {  	_ =	shalt  }
0x71: {  	_ =	shalt  }
0x72: {  	_ =	shalt  }
0x73: {  	_ =	shalt  }
0x74: {  	_ =	shalt  }
0x75: {  	_ =	shalt  }
0x76: {  	_ =	shalt  }
0x77: {  	_ =	shalt  }
0x78: {  	_ =	shalt  }
0x79: {  	_ =	shalt  }
0x7a: {  	_ =	shalt  }
0x7b: {  	_ =	shalt  }
0x7c: {  	_ =	shalt  }
0x7d: {  	_ =	shalt  }
0x7e: {  	_ =	shalt  }
0x7f: {  	_ =	shalt  }
0x80: {  	_ =	shalt  }
0x81: {  	_ =	shalt  }
0x82: {  	_ =	shalt  }
0x83: {  	_ =	shalt  }
0x84: {  	_ =	shalt  }
0x85: {  	_ =	shalt  }
0x86: {  	_ =	shalt  }
0x87: {  	_ =	shalt  }
.Lfunc_end0:
.L_simem_size_0:
called_computation_lowered:
.L_overlay_start_0:
0x88: {  	s0 =	sld [smem:$0x3FD9]  }
0x89: {  	s1 =	sld [smem:$0x3FFE];
	_ =	sdelay $0x3  }
0x8a: {  	s0 =	sadd.s32 s1, s0  }
0x8b: {  	[smem:$0x3FC6] =	sst s0  }
0x8c: {  	_ = 	snop  }
0x8d: {  	s0 =	sld [smem:$0x3FD0];
	_ =	sdelay $0x2  }
0x8e: {  	s13 =	simm.s32 $0xA;
	s2 =	simm.s32 $0x10  }
0x8f: {  	[smem:s2], [sflag:s13] =	dma.local [hbm:s0], $0x1  }
0x90: {  	_ =	swait.eq [sflag:s13], $0x1  }
0x91: {  	[sflag:s13] =	ssyncset.done $0x0  }
0x92: {  	s14 =	sld [smem:$0x10];
	[sflag:s13] =	ssyncadd.s32 $0xFFFFFFFF  }
0x93: {  	s15 =	sld [smem:$0x11];
	(tm) =	ssettm $0x1  }
0x94: {  	s16 =	sld [smem:$0x3FFB];
	_ =	sdelay $0x3  }
0x95: {  	_ =	strace s16  }
0x96: {  	s2 =	sld [smem:$0x3FFC];
	_ =	sdelay $0x3  }
0x97: {  	_ =	strace s2  }
0x98: {  	s2 =	sld [smem:$0x3FFD];
	_ =	sdelay $0x3  }
0x99: {  	_ =	strace s2  }
0x9a: {  	_ =	strace $0x8FFFFFFF  }
0x9b: {  	s17 =	sld [smem:$0x3FDB];
	_ =	sdelay $0x1  }
0x9c: {  	s3 =	simm.s32 $_scs_section_size  }
0x9d: {  	s4 =	simm.s32 $_size__tile_overlayer_lowered;
	s5 =	simm.s32 $_tile_overlayer_lowered  }
0x9e: {  	s20 =	simm.s32 $0x1BFF;
	s19 =	sshll.u32 s5, $0x1;
	s2 =	sadd.s32 s3, s17  }
0x9f: {  	s6 =	simm.s32 $0x0;
	s18 =	sshll.u32 s4, $0x1;
	s4 =	sadd.s32 s19, s2  }
0xa0: {  	[timem:s6], [sflag:s20] =	dma.local [hbm:s4], s18  }
0xa1: {  	_ =	swait.ge [sflag:s20], s18  }
0xa2: {  	s3 =	ssub.s32 $0x0, s18;
	[sflag:s20] =	ssyncset.done $0x0  }
0xa3: {  	[sflag:s20] =	ssyncadd.s32 s3;
	_ =	sdelay $0x1  }
0xa4: {  	s21 =	simm.s32 $0x1B8B  }
0xa5: {  	_ =	swait.ge [sflag:s21], $0x1  }
0xa6: {  	[sflag:s21] =	ssyncset.done $0x0  }
0xa7: {  	s23 =	simm.s32 $0x1B8E;
	s22 =	sld [smem:$0x3FFE];
	[sflag:s21] =	ssyncadd.s32 $0xFFFFFFFF  }
0xa8: {  	s24 =	simm.s32 $execute0_lowered;
	[smem:$0x3FD2] =	sst s23  }
0xa9: {  	s4 =	sshll.u32 s24, $0x1;
	_ =	strace $0x80000046;
	[dreg:$0x1] =	wrdreg $0xFFFFFFFF  }
0xaa: {  	s25 =	simm.s32 $_size_execute0_lowered;
	s2 =	sadd.s32 s2, s4;
	[dreg:$0x0] =	wrdreg $0x0  }
0xab: {  	s4 =	sshll.u32 s25, $0x1;
	[dreg:$0x2] =	wrdreg s2  }
0xac: {  	[dreg:$0x3] =	wrdreg s4  }
0xad: {  	[dreg:$0x4] =	wrdreg $0xC0  }
0xae: {  	_ =	task [dreg:s6], $0x5FFFF  }
0xaf: {  	[dreg:$0x1] =	wrdreg $0xFFFFFFFF  }
0xb0: {  	[dreg:$0x0] =	wrdreg $0x60  }
0xb1: {  	[dreg:$0x2] =	wrdreg s22  }
0xb2: {  	[dreg:$0x3] =	wrdreg s14  }
0xb3: {  	[dreg:$0x4] =	wrdreg s15  }
0xb4: {  	[dreg:$0x5] =	wrdreg $0x9  }
0xb5: {  	_ =	task.clear_ibuf [dreg:s6], $0x6FFFF;
	_ =	strace $0x90000046  }
0xb6: {  	s26 =	simm.s32 $0x9;
	_ =	strace $0x80000048  }
0xb7: {  	_ =	swait.ge [sflag:s26], $0x1  }
0xb8: {  	[sflag:s26] =	ssyncadd.s32 $0xFFFFFFFF  }
0xb9: {  	_ =	strace $0x90000048  }
0xba: {  	_ =	sfence  }
0xbb: {  	s28 =	sld [smem:$0x0];
	_ =	sdelay $0x1  }
0xbc: {  	s29 =	srdreg.scid  }
0xbd: {  	s30 =	sshll.u32 s29, $0xD;
	s31 =	sshrl.u32 s29, $0x2  }
0xbe: {  	s1 =	sand.u32 $0x1, s29;
	s2 =	sand.u32 $0x4000, s30;
	s0 =	sadd.s32 s31, s28  }
0xbf: {  	s1 =	sor.u32 s2, s1;
	s0 =	sshll.u32 s0, $0x11  }
0xc0: {  	s0 =	sor.u32 s0, s1  }
0xc1: {  	s0 =	sadd.s32 $0x8F2B, s0  }
0xc2: {  	[sflag:s0] =	ssyncadd.remote.s32 $0x1  }
0xc3: {  	_ =	sfence.sel $0xFFFF  }
0xc4: {  	[dreg:$0x0] =	wrdreg $0xFFFFFFFF;
	(pc) =	sbr.abs _section_cstart, $3  }
0xc5: {  	[dreg:$0x1] =	wrdreg $0xFFFFFFFF  }
0xc6: {  	_ =	task.clear_ibuf [dreg:s6], $0x2FFFF;
	_ =	strace $0x9FFFFFFF  }
0xc7: {  	(tm) =	ssettm $0x7FFFFFFF  }
tec
execute0_lowered:
.L_overlay_start_1:
0x0: {  	(tag) =	ssettag $0x1  }
0x1: {  	s4 =	rddreg [dreg:$0x0]  }
0x2: {  	s3 =	rddreg [dreg:$0x1]  }
0x3: {  	s2 =	rddreg [dreg:$0x2]  }
0x4: {  	s0 =	rddreg [dreg:$0x3];
	s1 =	stileid.u32  }
0x5: {  	s5 =	simm.s32 $0x0;
	s25 =	simm.s32 $0x2000;
	s6 =	sshll.u32 s1, $0xA  }
0x6: {  	s7 =	simm.s32 $0x20000;
	[smem:$0x7FF] =	sst s5;
	s4 =	sadd.s32 s6, s4  }
0x7: {  	s26 =	simm.s32 $0x1;
	_ =	strace $0x80000047;
	s4 =	sadd.s32 $0xC00, s4  }
0x8: {  	[tilespmem:s5], [sflag:$0x1] =	stream.strided.gather [hbm4b:s4+s25], $0x4000, s7, s25, $0x38;
	[tilespmem:$0x5000] =	vst v63  }
0x9: {  	s28 =	simm.s32 $0x0;
	_ =	swait.ge [sflag:s26], $0x4000  }
0xa: {  	s29 =	sand.u32 $0x70, s5;
	s30 =	sand.u32 $0x3FFFFC00, s28;
	[sflag:s26] =	ssyncset.done $0x0  }
0xb: {  	s5 =	sor.u32 s29, s30;
	[sflag:s26] =	ssyncadd.s32 $0xFFFFC000  }
0xc: {  	v0 =	vld [tilespmem:s5+$0x0]  }
0xd: {  	v1 =	vld [tilespmem:s5+$0x80];
	_ =	sdelay $0x3  }
0xe: {  	v2 =	vld [tilespmem:s5+$0x100];
	vm0 =	vgt.f32 v0, $-Inf  }
0xf: {  	vm4 =	vlt.f32 v1, $-Inf;
	vm1 =	vgt.f32 v1, $-Inf;
	v0 =	vnsel vm0, $0xFF800000, v0  }
0x10: {  	vm1 =	vmor vm1, vm4;
	vm13 =	vgt.f32 v1, v0  }
0x11: {  	v3 =	vnsel vm1, $0xFF800000, v1;
	vm15 =	vmneg vm13  }
0x12: {  	v4 =	vld [tilespmem:s5+$0x180];
	v3 =	vsel vm15, v3, v0  }
0x13: {  	v0 =	vsel vm15, v0, v1;
	v1 =	vimm.s32 $0x0;
	vm5 =	vgt.f32 v2, v3  }
0x14: {  	v1 =	vsel vm5, $0xFFFFFFFF, v1  }
0x15: {  	vm9 =	vgt.f32 v2, v0;
	[tilespmem:$0x1FF40] =	vst v1;
	v1 =	vsel vm5, v2, v3  }
0x16: {  	v3 =	vld [tilespmem:s5+$0x200];
	v1 =	vsel vm9, v0, v1  }
0x17: {  	v0 =	vsel vm9, v2, v0;
	v2 =	vimm.s32 $0x0;
	vm6 =	vgt.f32 v4, v1  }
0x18: {  	v2 =	vsel vm6, $0xFFFFFFFF, v2  }
0x19: {  	vm12 =	vgt.f32 v4, v0;
	v1 =	vsel vm6, v4, v1;
	[tilespmem:$0x1FF50] =	vst v2;
	v2 =	vld [tilespmem:s5+$0x280]  }
0x1a: {  	v1 =	vsel vm12, v0, v1  }
0x1b: {  	v0 =	vsel vm12, v4, v0;
	vm7 =	vgt.f32 v3, v1  }
0x1c: {  	v50 =	vimm.s32 $0x0;
	v51 =	vld [tilespmem:s5+$0x300];
	vm10 =	vgt.f32 v3, v0;
	v1 =	vsel vm7, v3, v1  }
0x1d: {  	v4 =	vsel vm7, $0xFFFFFFFF, v50;
	v1 =	vsel vm10, v0, v1  }
0x1e: {  	v0 =	vsel vm10, v3, v0;
	v3 =	vimm.s32 $0x0;
	vm14 =	vgt.f32 v2, v1  }
0x1f: {  	vm7 =	vgt.f32 v2, v0;
	v3 =	vsel vm14, $0xFFFFFFFF, v3;
	v1 =	vsel vm14, v2, v1  }
0x20: {  	[tilespmem:$0x1FF70] =	vst v3;
	v3 =	vld [tilespmem:s5+$0x380];
	v1 =	vsel vm7, v0, v1  }
0x21: {  	v0 =	vsel vm7, v2, v0;
	v2 =	vimm.s32 $0x0;
	vm4 =	vgt.f32 v51, v1  }
0x22: {  	v2 =	vsel vm4, $0xFFFFFFFF, v2  }
0x23: {  	vm8 =	vgt.f32 v51, v0;
	v1 =	vsel vm4, v51, v1;
	[tilespmem:$0x1FF80] =	vst v2;
	v2 =	vld [tilespmem:s5+$0x2000]  }
0x24: {  	v1 =	vsel vm8, v0, v1  }
0x25: {  	v0 =	vsel vm8, v51, v0;
	vm5 =	vgt.f32 v3, v1  }
0x26: {  	v53 =	vld [tilespmem:s5+$0x2080];
	vm11 =	vgt.f32 v3, v0;
	v1 =	vsel vm5, v3, v1  }
0x27: {  	v1 =	vsel vm11, v0, v1  }
0x28: {  	v0 =	vsel vm11, v3, v0;
	v3 =	vimm.s32 $0x0;
	vm6 =	vgt.f32 v2, v1  }
0x29: {  	v3 =	vsel vm6, $0xFFFFFFFF, v3;
	v1 =	vsel vm6, v2, v1;
	vm6 =	vgt.f32 v2, v0  }
0x2a: {  	[tilespmem:$0x1FFA0] =	vst v3;
	v3 =	vld [tilespmem:s5+$0x2100];
	v1 =	vsel vm6, v0, v1  }
0x2b: {  	v0 =	vsel vm6, v2, v0;
	v2 =	vimm.s32 $0x0;
	vm14 =	vgt.f32 v53, v1  }
0x2c: {  	v52 =	vimm.s32 $0x0;
	[tilespmem:$0x1FF60] =	vst v4;
	v2 =	vsel vm14, $0xFFFFFFFF, v2  }
0x2d: {  	v4 =	vsel vm5, $0xFFFFFFFF, v52;
	vm5 =	vgt.f32 v53, v0;
	v1 =	vsel vm14, v53, v1;
	[tilespmem:$0x1FFB0] =	vst v2;
	v2 =	vld [tilespmem:s5+$0x2180]  }
0x2e: {  	v1 =	vsel vm5, v0, v1  }
0x2f: {  	v54 =	vimm.s32 $0x0;
	v0 =	vsel vm5, v53, v0;
	vm4 =	vgt.f32 v3, v1  }
0x30: {  	v55 =	vld [tilespmem:s5+$0x2200];
	[tilespmem:$0x1FF90] =	vst v4;
	v4 =	vsel vm4, $0xFFFFFFFF, v54;
	v1 =	vsel vm4, v3, v1;
	vm4 =	vgt.f32 v3, v0  }
0x31: {  	v1 =	vsel vm4, v0, v1  }
0x32: {  	v0 =	vsel vm4, v3, v0;
	v3 =	vimm.s32 $0x0;
	vm14 =	vgt.f32 v2, v1  }
0x33: {  	vm3 =	vgt.f32 v2, v0;
	v3 =	vsel vm14, $0xFFFFFFFF, v3;
	v1 =	vsel vm14, v2, v1  }
0x34: {  	[tilespmem:$0x1FFD0] =	vst v3;
	v3 =	vld [tilespmem:s5+$0x2280];
	v1 =	vsel vm3, v0, v1  }
0x35: {  	v0 =	vsel vm3, v2, v0;
	v2 =	vimm.s32 $0x0;
	vm14 =	vgt.f32 v55, v1  }
0x36: {  	v2 =	vsel vm14, $0xFFFFFFFF, v2  }
0x37: {  	vm2 =	vgt.f32 v55, v0;
	v1 =	vsel vm14, v55, v1;
	[tilespmem:$0x1FFE0] =	vst v2;
	v2 =	vld [tilespmem:s5+$0x2300]  }
0x38: {  	vm14 =	vmand vm1, vm15;
	v1 =	vsel vm2, v0, v1  }
0x39: {  	[tilespmem:$0x1FFC0] =	vst v4;
	v4 =	vsel vm2, v55, v0;
	v0 =	vimm.s32 $0x0;
	vm15 =	vgt.f32 v3, v1  }
0x3a: {  	vm1 =	vgt.f32 v3, v4;
	v0 =	vsel vm15, $0xFFFFFFFF, v0;
	v1 =	vsel vm15, v3, v1  }
0x3b: {  	[tilespmem:$0x1FFF0] =	vst v0;
	v0 =	vimm.s32 $0x0;
	v1 =	vsel vm1, v4, v1  }
0x3c: {  	v56 =	vld [tilespmem:$0x1FF40];
	v3 =	vsel vm1, v3, v4;
	v6 =	vsel vm14, $0x1, v0;
	vm14 =	vgt.f32 v2, v1  }
0x3d: {  	v5 =	vld [tilespmem:s5+$0x2380];
	vm0 =	vgt.f32 v2, v3;
	v1 =	vsel vm14, v2, v1  }
0x3e: {  	v2 =	vsel vm0, v2, v3;
	v1 =	vsel vm0, v3, v1;
	v3 =	vld [tilespmem:$0x1FF50];
	_ =	sdelay $0x1  }
0x3f: {  	v58 =	vld [tilespmem:$0x1FF60]  }
0x40: {  	v7 =	vsel vm13, $0x1, v0;
	vm13 =	vnez.u8 v56  }
0x41: {  	v60 =	vld [tilespmem:$0x1FF70];
	v4 =	vsel vm13, $0x2, v6;
	v57 =	vsel vm9, $0x2, v7  }
0x42: {  	v4 =	vsel vm9, v7, v4;
	vm9 =	vgt.f32 v5, v2;
	vm15 =	vnez.u8 v3  }
0x43: {  	v61 =	vld [tilespmem:$0x1FF80];
	v59 =	vsel vm12, $0x3, v57;
	vm13 =	vgt.f32 v5, v1;
	v3 =	vsel vm15, $0x3, v4  }
0x44: {  	v1 =	vsel vm13, v5, v1;
	vm15 =	vnez.u8 v58;
	v3 =	vsel vm12, v57, v3  }
0x45: {  	v1 =	vsel vm9, v2, v1;
	v2 =	vsel vm9, v5, v2;
	v3 =	vsel vm15, $0x4, v3  }
0x46: {  	v1 =	vsub.f32 v1, v2;
	vm12 =	vnez.u8 v60;
	v2 =	vsel vm10, v59, v3  }
0x47: {  	v3 =	vsel vm10, $0x4, v59;
	v2 =	vsel vm12, $0x5, v2  }
0x48: {  	v1 =	vmul.f32 $1.442695020e+00, v1;
	vm15 =	vnez.u8 v61;
	v2 =	vsel vm7, v3, v2  }
0x49: {  	v3 =	vsel vm7, $0x5, v3;
	v2 =	vsel vm15, $0x6, v2  }
0x4a: {  	(erf) = vpow2.f32 v1;
	v1 =	vsel vm8, v3, v2;
	v2 =	vsel vm8, $0x6, v3;
	v3 =	vld [tilespmem:$0x1FF90];
	_ =	sdelay $0x4  }
0x4b: {  	vm10 =	vnez.u8 v3;
	v3 =	vld [tilespmem:$0x1FFA0];
	_ =	sdelay $0x4  }
0x4c: {  	vm12 =	vnez.u8 v3;
	v3 =	vld [tilespmem:$0x1FFB0];
	_ =	sdelay $0x4  }
0x4d: {  	vm15 =	vnez.u8 v3;
	v3 =	vld [tilespmem:$0x1FFC0];
	_ =	sdelay $0x1  }
0x4e: {  	v1 =	vsel vm10, $0x7, v1  }
0x4f: {  	v1 =	vsel vm11, v2, v1  }
0x50: {  	v62 =	vld [tilespmem:$0x1FFD0];
	v2 =	vsel vm11, $0x7, v2;
	v1 =	vsel vm12, $0x8, v1  }
0x51: {  	v1 =	vsel vm6, v2, v1;
	vm10 =	vnez.u8 v3;
	v3 =	vpop (erf)  }
0x52: {  	v63 =	vld [tilespmem:$0x1FFE0];
	v2 =	vsel vm6, $0x8, v2;
	v1 =	vsel vm15, $0x9, v1;
	v3 =	vadd.f32 $1.000000000e+00, v3  }
0x53: {  	v1 =	vsel vm5, v2, v1  }
0x54: {  	v2 =	vsel vm5, $0x9, v2;
	v1 =	vsel vm10, $0xA, v1;
	(erf) = vrcp.f32 v3;
	v3 =	vld [tilespmem:$0x1FFF0]  }
0x55: {  	vm11 =	vnez.u8 v62;
	v1 =	vsel vm4, v2, v1  }
0x56: {  	v2 =	vsel vm4, $0xA, v2;
	v1 =	vsel vm11, $0xB, v1  }
0x57: {  	vm12 =	vnez.u8 v63;
	v1 =	vsel vm3, v2, v1  }
0x58: {  	v2 =	vsel vm3, $0xB, v2;
	v1 =	vsel vm12, $0xC, v1  }
0x59: {  	v1 =	vsel vm2, v2, v1;
	vm15 =	vnez.u8 v3  }
0x5a: {  	v2 =	vsel vm2, $0xC, v2;
	v1 =	vsel vm15, $0xD, v1  }
0x5b: {  	v1 =	vsel vm1, v2, v1  }
0x5c: {  	v2 =	vsel vm1, $0xD, v2;
	v1 =	vsel vm14, $0xE, v1  }
0x5d: {  	v1 =	vsel vm0, v2, v1  }
0x5e: {  	s31 =	simm.s32 $0x0;
	v2 =	vsel vm0, $0xE, v2;
	v1 =	vsel vm13, $0xF, v1  }
0x5f: {  	s5 =	sand.u32 $0xFFFFFF00, s31;
	v1 =	vsel vm9, v2, v1;
	v2 =	vsel vm9, $0xF, v2  }
0x60: {  	s8 =	sor.u32 s29, s5  }
0x61: {  	s9 =	simm.s32 $0x80;
	[tilespmem:s8+$0x4880] =	vst v1  }
0x62: {  	s9 =	sand.u32 $0x3FFFFC00, s9;
	s6 =	simm.s32 $0x10;
	[tilespmem:s8+$0x4800] =	vst v2;
	v2 =	vpop (erf)  }
0x63: {  	s4 =	simm.s32 $0x1;
	s7 =	simm.s32 $0x2;
	s5 =	sand.u32 $0x70, s6;
	v1 =	vsub.f32 $1.000000000e+00, v2;
	[tilespmem:s8+$0x4000] =	vst v2  }
.LBB2_1:
0x64: {  	p0 =	sne.s32 s7, $0x3F  }
0x65: {  	s9 =	sor.u32 s5, s9;
	[tilespmem:s8+$0x4080] =	vst v1;
	s8 =	smov.u32 s7;
	s7 =	sadd.s32 $0x1, s7  }
0x66: {  	v1 =	vld [tilespmem:s9+$0x0]  }
0x67: {  	v2 =	vld [tilespmem:s9+$0x80];
	_ =	sdelay $0x3  }
0x68: {  	vm0 =	vgt.f32 v1, $-Inf;
	v3 =	vld [tilespmem:s9+$0x100]  }
0x69: {  	v1 =	vnsel vm0, $0xFF800000, v1;
	vm0 =	vlt.f32 v2, $-Inf;
	vm1 =	vgt.f32 v2, $-Inf  }
0x6a: {  	vm2 =	vgt.f32 v2, v1;
	vm0 =	vmor vm1, vm0  }
0x6b: {  	vm1 =	vmneg vm2;
	v4 =	vnsel vm0, $0xFF800000, v2;
	v5 =	vld [tilespmem:s9+$0x180]  }
0x6c: {  	v4 =	vsel vm1, v4, v1;
	vm0 =	vmand vm0, vm1;
	v1 =	vsel vm1, v1, v2  }
0x6d: {  	v6 =	vsel vm2, $0x1, v0;
	v2 =	vsel vm0, $0x1, v0;
	vm0 =	vgt.f32 v3, v4  }
0x6e: {  	vm1 =	vgt.f32 v3, v1;
	v4 =	vsel vm0, v3, v4;
	v2 =	vsel vm0, $0x2, v2;
	v7 =	vld [tilespmem:s9+$0x200]  }
0x6f: {  	v4 =	vsel vm1, v1, v4;
	v2 =	vsel vm1, v6, v2;
	v1 =	vsel vm1, v3, v1  }
0x70: {  	v3 =	vsel vm1, $0x2, v6;
	vm0 =	vgt.f32 v5, v4  }
0x71: {  	vm1 =	vgt.f32 v5, v1;
	v4 =	vsel vm0, v5, v4;
	v2 =	vsel vm0, $0x3, v2;
	v6 =	vld [tilespmem:s9+$0x280]  }
0x72: {  	v4 =	vsel vm1, v1, v4;
	v2 =	vsel vm1, v3, v2;
	v1 =	vsel vm1, v5, v1  }
0x73: {  	vm0 =	vgt.f32 v7, v4  }
0x74: {  	vm2 =	vgt.f32 v7, v1;
	v4 =	vsel vm0, v7, v4;
	v2 =	vsel vm0, $0x4, v2;
	v5 =	vld [tilespmem:s9+$0x300]  }
0x75: {  	v3 =	vsel vm1, $0x3, v3;
	v4 =	vsel vm2, v1, v4;
	v1 =	vsel vm2, v7, v1  }
0x76: {  	v2 =	vsel vm2, v3, v2;
	v3 =	vsel vm2, $0x4, v3;
	vm0 =	vgt.f32 v6, v4  }
0x77: {  	vm1 =	vgt.f32 v6, v1;
	v4 =	vsel vm0, v6, v4;
	v2 =	vsel vm0, $0x5, v2;
	v7 =	vld [tilespmem:s9+$0x380]  }
0x78: {  	v4 =	vsel vm1, v1, v4;
	v2 =	vsel vm1, v3, v2;
	v1 =	vsel vm1, v6, v1  }
0x79: {  	v3 =	vsel vm1, $0x5, v3;
	vm0 =	vgt.f32 v5, v4  }
0x7a: {  	vm1 =	vgt.f32 v5, v1;
	v4 =	vsel vm0, v5, v4;
	v2 =	vsel vm0, $0x6, v2;
	v6 =	vld [tilespmem:s9+$0x2000]  }
0x7b: {  	v4 =	vsel vm1, v1, v4;
	v2 =	vsel vm1, v3, v2;
	v1 =	vsel vm1, v5, v1  }
0x7c: {  	v3 =	vsel vm1, $0x6, v3;
	vm0 =	vgt.f32 v7, v4  }
0x7d: {  	vm1 =	vgt.f32 v7, v1;
	v4 =	vsel vm0, v7, v4;
	v2 =	vsel vm0, $0x7, v2;
	v5 =	vld [tilespmem:s9+$0x2080]  }
0x7e: {  	v4 =	vsel vm1, v1, v4;
	v2 =	vsel vm1, v3, v2;
	v1 =	vsel vm1, v7, v1  }
0x7f: {  	v3 =	vsel vm1, $0x7, v3;
	vm0 =	vgt.f32 v6, v4  }
0x80: {  	vm1 =	vgt.f32 v6, v1;
	v4 =	vsel vm0, v6, v4;
	v2 =	vsel vm0, $0x8, v2;
	v7 =	vld [tilespmem:s9+$0x2100]  }
0x81: {  	v4 =	vsel vm1, v1, v4;
	v1 =	vsel vm1, v6, v1;
	v6 =	vsel vm1, $0x8, v3  }
0x82: {  	v2 =	vsel vm1, v3, v2;
	vm0 =	vgt.f32 v5, v4  }
0x83: {  	vm1 =	vgt.f32 v5, v1;
	v3 =	vsel vm0, v5, v4;
	v2 =	vsel vm0, $0x9, v2;
	v4 =	vld [tilespmem:s9+$0x2180]  }
0x84: {  	v3 =	vsel vm1, v1, v3;
	v2 =	vsel vm1, v6, v2;
	v6 =	vsel vm1, $0x9, v6  }
0x85: {  	v1 =	vsel vm1, v5, v1;
	vm0 =	vgt.f32 v7, v3  }
0x86: {  	vm1 =	vgt.f32 v7, v1;
	v3 =	vsel vm0, v7, v3;
	v2 =	vsel vm0, $0xA, v2;
	v5 =	vld [tilespmem:s9+$0x2200]  }
0x87: {  	v3 =	vsel vm1, v1, v3;
	v2 =	vsel vm1, v6, v2;
	v6 =	vsel vm1, $0xA, v6  }
0x88: {  	v1 =	vsel vm1, v7, v1;
	vm0 =	vgt.f32 v4, v3  }
0x89: {  	vm1 =	vgt.f32 v4, v1;
	v3 =	vsel vm0, v4, v3;
	v2 =	vsel vm0, $0xB, v2;
	v7 =	vld [tilespmem:s9+$0x2280]  }
0x8a: {  	v3 =	vsel vm1, v1, v3;
	v2 =	vsel vm1, v6, v2  }
0x8b: {  	v1 =	vsel vm1, v4, v1;
	v4 =	vsel vm1, $0xB, v6;
	vm0 =	vgt.f32 v5, v3  }
0x8c: {  	vm1 =	vgt.f32 v5, v1;
	v3 =	vsel vm0, v5, v3;
	v2 =	vsel vm0, $0xC, v2;
	v6 =	vld [tilespmem:s9+$0x2300]  }
0x8d: {  	v3 =	vsel vm1, v1, v3;
	v2 =	vsel vm1, v4, v2;
	v1 =	vsel vm1, v5, v1  }
0x8e: {  	v4 =	vsel vm1, $0xC, v4;
	vm0 =	vgt.f32 v7, v3  }
0x8f: {  	vm1 =	vgt.f32 v7, v1;
	v3 =	vsel vm0, v7, v3;
	v2 =	vsel vm0, $0xD, v2;
	v5 =	vld [tilespmem:s9+$0x2380]  }
0x90: {  	v3 =	vsel vm1, v1, v3;
	v2 =	vsel vm1, v4, v2;
	v4 =	vsel vm1, $0xD, v4  }
0x91: {  	v1 =	vsel vm1, v7, v1;
	vm0 =	vgt.f32 v6, v3  }
0x92: {  	vm1 =	vgt.f32 v6, v1;
	v3 =	vsel vm0, v6, v3;
	v2 =	vsel vm0, $0xE, v2  }
0x93: {  	v3 =	vsel vm1, v1, v3;
	v2 =	vsel vm1, v4, v2  }
0x94: {  	s9 =	sshll.u32 s4, $0x5;
	s4 =	smov.u32 s8;
	v1 =	vsel vm1, v6, v1;
	v4 =	vsel vm1, $0xE, v4;
	vm0 =	vgt.f32 v5, v3  }
0x95: {  	s8 =	sand.u32 $0xFFFFFF00, s9;
	vm1 =	vgt.f32 v5, v1;
	v3 =	vsel vm0, v5, v3;
	v2 =	vsel vm0, $0xF, v2  }
0x96: {  	s8 =	sor.u32 s5, s8;
	v3 =	vsel vm1, v1, v3;
	v2 =	vsel vm1, v4, v2;
	v1 =	vsel vm1, v5, v1  }
0x97: {  	v4 =	vsel vm1, $0xF, v4;
	v1 =	vsub.f32 v3, v1;
	[tilespmem:s8+$0x4880] =	vst v2  }
0x98: {  	[tilespmem:s8+$0x4800] =	vst v4  }
0x99: {  	v1 =	vmul.f32 $1.442695020e+00, v1;
	_ =	sdelay $0x1  }
0x9a: {  	(erf) = vpow2.f32 v1;
	_ =	sdelay $0x8  }
0x9b: {  	v1 =	vpop (erf)  }
0x9c: {  	v1 =	vadd.f32 $1.000000000e+00, v1;
	_ =	sdelay $0x1  }
0x9d: {  	(erf) = vrcp.f32 v1;
	_ =	sdelay $0x6  }
.Ltmp0:
0x9e: {  	(pc) =	sbr.rel @p0 .LBB2_1-.Ltmp0, $4  }
0x9f: {  	_ = 	snop  }
0xa0: {  	v2 =	vpop (erf)  }
0xa1: {  	s6 =	sadd.s32 $0x10, s6;
	s9 =	sshll.u32 s4, $0x7;
	v1 =	vsub.f32 $1.000000000e+00, v2;
	[tilespmem:s8+$0x4000] =	vst v2  }
0xa2: {  	s5 =	sand.u32 $0x70, s6;
	s9 =	sand.u32 $0x3FFFFC00, s9  }
0xa3: {  	s6 =	sor.u32 s5, s9;
	[tilespmem:s8+$0x4080] =	vst v1  }
0xa4: {  	v1 =	vld [tilespmem:s6+$0x0]  }
0xa5: {  	v2 =	vld [tilespmem:s6+$0x80];
	_ =	sdelay $0x3  }
0xa6: {  	v3 =	vld [tilespmem:s6+$0x100];
	vm0 =	vgt.f32 v1, $-Inf  }
0xa7: {  	vm11 =	vlt.f32 v2, $-Inf;
	vm1 =	vgt.f32 v2, $-Inf;
	v1 =	vnsel vm0, $0xFF800000, v1  }
0xa8: {  	vm14 =	vmor vm1, vm11;
	vm12 =	vgt.f32 v2, v1  }
0xa9: {  	v5 =	vld [tilespmem:s6+$0x180];
	v4 =	vnsel vm14, $0xFF800000, v2;
	vm0 =	vmneg vm12  }
0xaa: {  	v4 =	vsel vm0, v4, v1  }
0xab: {  	v1 =	vsel vm0, v1, v2;
	vm15 =	vgt.f32 v3, v4  }
0xac: {  	v23 =	vld [tilespmem:s6+$0x200];
	vm9 =	vgt.f32 v3, v1;
	v22 =	vsel vm15, v3, v4  }
0xad: {  	v2 =	vsel vm9, v1, v22  }
0xae: {  	v1 =	vsel vm9, v3, v1;
	vm4 =	vgt.f32 v5, v2  }
0xaf: {  	v25 =	vld [tilespmem:s6+$0x280];
	vm11 =	vgt.f32 v5, v1;
	v2 =	vsel vm4, v5, v2  }
0xb0: {  	v2 =	vsel vm11, v1, v2  }
0xb1: {  	v1 =	vsel vm11, v5, v1;
	vm5 =	vgt.f32 v23, v2  }
0xb2: {  	v27 =	vld [tilespmem:s6+$0x300];
	vm8 =	vgt.f32 v23, v1;
	v2 =	vsel vm5, v23, v2  }
0xb3: {  	v2 =	vsel vm8, v1, v2  }
0xb4: {  	v1 =	vsel vm8, v23, v1;
	vm13 =	vgt.f32 v25, v2  }
0xb5: {  	v29 =	vld [tilespmem:s6+$0x380];
	vm7 =	vgt.f32 v25, v1;
	v2 =	vsel vm13, v25, v2  }
0xb6: {  	v26 =	vimm.s32 $0x0;
	v2 =	vsel vm7, v1, v2  }
0xb7: {  	v5 =	vsel vm5, $0xFFFFFFFF, v26;
	v1 =	vsel vm7, v25, v1;
	vm5 =	vgt.f32 v27, v2  }
0xb8: {  	v31 =	vld [tilespmem:s6+$0x2000];
	vm10 =	vgt.f32 v27, v1;
	v2 =	vsel vm5, v27, v2  }
0xb9: {  	v2 =	vsel vm10, v1, v2  }
0xba: {  	v28 =	vimm.s32 $0x0;
	v1 =	vsel vm10, v27, v1;
	vm6 =	vgt.f32 v29, v2  }
0xbb: {  	v33 =	vld [tilespmem:s6+$0x2080];
	v4 =	vsel vm13, $0xFFFFFFFF, v28;
	vm13 =	vgt.f32 v29, v1;
	v2 =	vsel vm6, v29, v2  }
0xbc: {  	v24 =	vimm.s32 $0x0;
	v32 =	vimm.s32 $0x0;
	v2 =	vsel vm13, v1, v2  }
0xbd: {  	v3 =	vsel vm4, $0xFFFFFFFF, v24;
	v1 =	vsel vm13, v29, v1;
	vm4 =	vgt.f32 v31, v2  }
0xbe: {  	v35 =	vld [tilespmem:s6+$0x2100];
	[tilespmem:$0x1FEA0] =	vst v5;
	v5 =	vsel vm6, $0xFFFFFFFF, v32;
	vm6 =	vgt.f32 v31, v1;
	v2 =	vsel vm4, v31, v2  }
0xbf: {  	v30 =	vimm.s32 $0x0;
	v36 =	vimm.s32 $0x0;
	v2 =	vsel vm6, v1, v2  }
0xc0: {  	[tilespmem:$0x1FE90] =	vst v3;
	v3 =	vsel vm5, $0xFFFFFFFF, v30;
	v1 =	vsel vm6, v31, v1;
	vm5 =	vgt.f32 v33, v2  }
0xc1: {  	v37 =	vld [tilespmem:s6+$0x2180];
	[tilespmem:$0x1FEC0] =	vst v3;
	v3 =	vsel vm5, $0xFFFFFFFF, v36;
	v2 =	vsel vm5, v33, v2;
	vm5 =	vgt.f32 v33, v1  }
0xc2: {  	v34 =	vimm.s32 $0x0;
	v38 =	vimm.s32 $0x0;
	v2 =	vsel vm5, v1, v2  }
0xc3: {  	[tilespmem:$0x1FEB0] =	vst v4;
	v4 =	vsel vm4, $0xFFFFFFFF, v34;
	v1 =	vsel vm5, v33, v1;
	vm4 =	vgt.f32 v35, v2  }
0xc4: {  	v39 =	vld [tilespmem:s6+$0x2200];
	[tilespmem:$0x1FED0] =	vst v5;
	v5 =	vsel vm4, $0xFFFFFFFF, v38;
	v2 =	vsel vm4, v35, v2;
	vm4 =	vgt.f32 v35, v1  }
0xc5: {  	v2 =	vsel vm4, v1, v2  }
0xc6: {  	v1 =	vsel vm4, v35, v1;
	vm1 =	vgt.f32 v37, v2  }
0xc7: {  	v41 =	vld [tilespmem:s6+$0x2280];
	vm3 =	vgt.f32 v37, v1;
	v2 =	vsel vm1, v37, v2  }
0xc8: {  	v40 =	vimm.s32 $0x0;
	v2 =	vsel vm3, v1, v2  }
0xc9: {  	[tilespmem:$0x1FEE0] =	vst v4;
	v4 =	vsel vm1, $0xFFFFFFFF, v40;
	v1 =	vsel vm3, v37, v1;
	vm1 =	vgt.f32 v39, v2  }
0xca: {  	v43 =	vld [tilespmem:s6+$0x2300];
	vm2 =	vgt.f32 v39, v1;
	v2 =	vsel vm1, v39, v2  }
0xcb: {  	v42 =	vimm.s32 $0x0;
	v44 =	vimm.s32 $0x0;
	v2 =	vsel vm2, v1, v2  }
0xcc: {  	v45 =	vld [tilespmem:s6+$0x2380];
	[tilespmem:$0x1FEF0] =	vst v3;
	v3 =	vsel vm1, $0xFFFFFFFF, v42;
	v1 =	vsel vm2, v39, v1;
	vm1 =	vgt.f32 v41, v2  }
0xcd: {  	v48 =	vld [tilespmem:$0x1FE90];
	[tilespmem:$0x1FF00] =	vst v5;
	v5 =	vsel vm1, $0xFFFFFFFF, v44;
	v2 =	vsel vm1, v41, v2;
	vm1 =	vgt.f32 v41, v1  }
0xce: {  	v47 =	vsel vm12, $0x1, v0;
	v2 =	vsel vm1, v1, v2  }
0xcf: {  	vm0 =	vmand vm14, vm0;
	v1 =	vsel vm1, v41, v1;
	vm14 =	vgt.f32 v43, v2  }
0xd0: {  	v46 =	vsel vm0, $0x1, v0;
	v50 =	vld [tilespmem:$0x1FEA0];
	vm0 =	vgt.f32 v43, v1;
	v2 =	vsel vm14, v43, v2  }
0xd1: {  	v0 =	vsel vm9, $0x2, v47;
	[tilespmem:$0x1FF10] =	vst v4;
	v4 =	vsel vm15, $0x2, v46;
	v2 =	vsel vm0, v1, v2  }
0xd2: {  	v51 =	vld [tilespmem:$0x1FEB0];
	vm15 =	vnez.u8 v48;
	v1 =	vsel vm0, v43, v1;
	vm12 =	vgt.f32 v45, v2  }
0xd3: {  	v4 =	vsel vm9, v47, v4;
	vm9 =	vgt.f32 v45, v1;
	v2 =	vsel vm12, v45, v2  }
0xd4: {  	v53 =	vld [tilespmem:$0x1FEC0];
	[tilespmem:$0x1FF20] =	vst v3;
	v3 =	vsel vm15, $0x3, v4;
	v2 =	vsel vm9, v1, v2;
	v1 =	vsel vm9, v45, v1  }
0xd5: {  	vm15 =	vnez.u8 v50;
	v49 =	vsel vm11, v0, v3;
	v1 =	vsub.f32 v2, v1  }
0xd6: {  	v54 =	vld [tilespmem:$0x1FED0];
	v0 =	vsel vm11, $0x3, v0;
	v2 =	vsel vm15, $0x4, v49  }
0xd7: {  	vm15 =	vnez.u8 v51;
	v2 =	vsel vm8, v0, v2;
	v1 =	vmul.f32 $1.442695020e+00, v1  }
0xd8: {  	v55 =	vld [tilespmem:$0x1FEE0];
	v0 =	vsel vm8, $0x4, v0;
	v2 =	vsel vm15, $0x5, v2  }
0xd9: {  	vm15 =	vnez.u8 v53;
	v52 =	vsel vm7, v0, v2;
	(erf) = vpow2.f32 v1  }
0xda: {  	v56 =	vld [tilespmem:$0x1FEF0];
	v0 =	vsel vm7, $0x5, v0;
	v1 =	vsel vm15, $0x6, v52  }
0xdb: {  	vm11 =	vnez.u8 v54;
	v1 =	vsel vm10, v0, v1  }
0xdc: {  	v57 =	vld [tilespmem:$0x1FF00];
	v0 =	vsel vm10, $0x6, v0;
	v1 =	vsel vm11, $0x7, v1  }
0xdd: {  	v1 =	vsel vm13, v0, v1;
	v0 =	vsel vm13, $0x7, v0;
	vm13 =	vnez.u8 v55  }
0xde: {  	v59 =	vld [tilespmem:$0x1FF10];
	v1 =	vsel vm13, $0x8, v1  }
0xdf: {  	vm15 =	vnez.u8 v56;
	v1 =	vsel vm6, v0, v1  }
0xe0: {  	v60 =	vld [tilespmem:$0x1FF20];
	v0 =	vsel vm6, $0x8, v0;
	v1 =	vsel vm15, $0x9, v1  }
0xe1: {  	[tilespmem:$0x1FF30] =	vst v5;
	vm10 =	vnez.u8 v57;
	v1 =	vsel vm5, v0, v1  }
0xe2: {  	v61 =	vld [tilespmem:$0x1FF30];
	v0 =	vsel vm5, $0x9, v0;
	v1 =	vsel vm10, $0xA, v1;
	v58 =	vpop (erf)  }
0xe3: {  	vm11 =	vnez.u8 v59;
	v1 =	vsel vm4, v0, v1;
	v2 =	vadd.f32 $1.000000000e+00, v58  }
0xe4: {  	v0 =	vsel vm4, $0xA, v0;
	v1 =	vsel vm11, $0xB, v1  }
0xe5: {  	vm13 =	vnez.u8 v60;
	v1 =	vsel vm3, v0, v1;
	(erf) = vrcp.f32 v2  }
0xe6: {  	v0 =	vsel vm3, $0xB, v0;
	v1 =	vsel vm13, $0xC, v1  }
0xe7: {  	vm15 =	vnez.u8 v61;
	v1 =	vsel vm2, v0, v1  }
0xe8: {  	v0 =	vsel vm2, $0xC, v0;
	v1 =	vsel vm15, $0xD, v1  }
0xe9: {  	v1 =	vsel vm1, v0, v1  }
0xea: {  	v0 =	vsel vm1, $0xD, v0;
	v1 =	vsel vm14, $0xE, v1  }
0xeb: {  	s4 =	sshll.u32 s4, $0x5;
	v1 =	vsel vm0, v0, v1  }
0xec: {  	s4 =	sand.u32 $0xFFFFFF00, s4;
	v0 =	vsel vm0, $0xE, v0;
	v1 =	vsel vm12, $0xF, v1  }
0xed: {  	s4 =	sor.u32 s5, s4;
	v1 =	vsel vm9, v0, v1  }
0xee: {  	v0 =	vsel vm9, $0xF, v0;
	[tilespmem:s4+$0x4880] =	vst v1;
	v62 =	vpop (erf)  }
0xef: {  	[tilespmem:s4+$0x4800] =	vst v0;
	v63 =	vsub.f32 $1.000000000e+00, v62  }
0xf0: {  	s26 =	sshll.u32 s1, $0x8;
	s28 =	simm.s32 $0x0;
	[tilespmem:s4+$0x4000] =	vst v62  }
0xf1: {  	s29 =	simm.s32 $0x4000;
	s30 =	simm.s32 $0x1;
	s3 =	sadd.s32 s3, s26;
	[tilespmem:s4+$0x4080] =	vst v63  }
0xf2: {  	[hbm4b:s3+s28] =	stream.linear.scatter [tilespmem:s29], [sflag:$0x1], $0x800, $0x38;
	[tilespmem:$0x5000] =	vst v63  }
0xf3: {  	_ =	swait.ge [sflag:s30], $0x800  }
0xf4: {  	[sflag:s30] =	ssyncset.done $0x0  }
0xf5: {  	s31 =	simm.s32 $0x4800;
	s2 =	sadd.s32 s2, s26;
	[sflag:s30] =	ssyncadd.s32 $0xFFFFF800  }
0xf6: {  	[hbm4b:s2+s28] =	stream.linear.scatter [tilespmem:s31], [sflag:$0x1], $0x800, $0x38;
	[tilespmem:$0x5000] =	vst v63  }
0xf7: {  	_ =	swait.ge [sflag:s30], $0x800  }
0xf8: {  	[sflag:s30] =	ssyncset.done $0x0  }
0xf9: {  	[sflag:s30] =	ssyncadd.s32 $0xFFFFF800  }
0xfa: {  	_ =	sfence.sel $0x180000  }
0xfb: {  	[bflag:$0x0] =	sbarrier.arrive $0xFFFF  }
0xfc: {  	p0 =	sne.s32 s1, $0x0;
	_ =	strace $0x90000047  }
0xfd: {  	s0 =	sadd.s32 @!p0 $0x100000, s0;
	[bflag:$0x2] =	sbarrier.arrive $0xFFFF  }
0xfe: {  	[sflag:s0] =	ssyncadd.tile.s32 @!p0 $0x1;
	_ =	shalt  }
.Lfunc_end2:
_tile_overlayer_lowered:
.L_overlay_start_2:
0xff: {  	(tag) =	ssettag $0x2  }
0x100: {  	s0 =	rddreg [dreg:$0x0];
	s2 =	stileid.u32  }
0x101: {  	s1 =	rddreg [dreg:$0x1];
	p0 =	sne.s32 s2, $0x0  }
0x102: {  	s3 =	rddreg [dreg:$0x2];
	[bflag:$0x3] =	sbarrier.arrive $0xFFFF;
	s2 =	simm.s32 @!p0 $0x1C01  }
0x103: {  	[timem:s3], [sflag:s2] =	dma.local @!p0 [hbm:s0], s1  }
0x104: {  	s0 =	simm.s32 @!p0 $0x1  }
0x105: {  	_ =	swait.ge @!p0 [sflag:s0], s1  }
0x106: {  	s1 =	ssub.s32 @!p0 $0x0, s1;
	[sflag:s0] =	ssyncset.done @!p0 $0x0  }
0x107: {  	[sflag:s0] =	ssyncadd.s32 @!p0 s1  }
0x108: {  	[bflag:$0x3] =	sbarrier.arrive $0xFFFF  }
0x109: {  	_ =	shalt  }

</sc_bundles>
